<compile_context>
chip_gen: v7x
topology: tpu7x:2x2x1
jax: 0.10.2.dev20260603
libtpu: 0.0.44.dev20260713+nightly
codegen_flags: <defaults>
</compile_context>

<pallas_src>
import functools

import jax
import jax.numpy as jnp
from jax import lax
from jax.experimental import pallas as pl
from jax.experimental.pallas import tpu as pltpu
from jax.experimental.pallas import tpu_sc as plsc

VOCAB = 1000000
EMBED = 64
HIDDEN = 128
NCLS = 50
B = 4096
L = 200

NC = 2
NS = 16
NW = NC * NS
ROWS_PER_W = B // NW
NCHUNK = 2
CHUNK = L // NCHUNK
NBUF = 4
VPR = EMBED // 16


def _sc_pool_body(x_hbm, table_hbm, out_hbm, idx_v, rows_v, out_v, *sems):
    wid = lax.axis_index("s") * NC + lax.axis_index("c")
    pltpu.sync_copy(x_hbm.at[wid], idx_v)

    def issue(r, b):
        for c in range(NCHUNK):
            pltpu.async_copy(
                table_hbm.at[idx_v.at[r, c]],
                rows_v.at[b, pl.ds(c * CHUNK, CHUNK)],
                sems[b],
            )

    def wait(b):
        for c in range(NCHUNK):
            pltpu.make_async_copy(
                table_hbm.at[idx_v.at[0, c]],
                rows_v.at[b, pl.ds(c * CHUNK, CHUNK)],
                sems[b],
            ).wait()

    for b in range(NBUF):
        issue(b, b)

    zero = jnp.zeros((16,), jnp.float32)

    def outer(i, _):
        rr = i * NBUF
        for b in range(NBUF):
            r = rr + b
            wait(b)

            def tok(t, acc):
                base = t * 8
                acc = list(acc)
                for k in range(8):
                    g = (k & 1) * VPR
                    for j in range(VPR):
                        acc[g + j] = acc[g + j] + rows_v[b, base + k, pl.ds(j * 16, 16)]
                return tuple(acc)

            acc = lax.fori_loop(0, L // 8, tok, (zero,) * (2 * VPR))
            for j in range(VPR):
                out_v[r, pl.ds(j * 16, 16)] = acc[j] + acc[VPR + j]

            @pl.when(r + NBUF < ROWS_PER_W)
            def _():
                issue(r + NBUF, b)

        return _

    lax.fori_loop(0, ROWS_PER_W // NBUF, outer, None)
    pltpu.sync_copy(out_v, out_hbm.at[wid])


def _sc_pool(x_blocks, table):
    mesh = plsc.VectorSubcoreMesh(core_axis_name="c", subcore_axis_name="s")
    f = functools.partial(
        pl.kernel,
        out_type=jax.ShapeDtypeStruct((NW, ROWS_PER_W, EMBED), jnp.float32),
        mesh=mesh,
        scratch_types=[
            pltpu.VMEM((ROWS_PER_W, NCHUNK, CHUNK), jnp.int32),
            pltpu.VMEM((NBUF, L, EMBED), jnp.float32),
            pltpu.VMEM((ROWS_PER_W, EMBED), jnp.float32),
        ] + [pltpu.SemaphoreType.DMA] * NBUF,
        compiler_params=pltpu.CompilerParams(use_tc_tiling_on_sc=False),
    )(_sc_pool_body)
    return f(x_blocks, table)


def _mlp_body(e_ref, inv_ref, wh_ref, bh_ref, wf_ref, bf_ref, o_ref):
    e = e_ref[...] * inv_ref[...]
    e = jnp.where(e > 0, e, jnp.exp(e) - 1.0)
    h = lax.dot_general(e, wh_ref[...], (((1,), (1,)), ((), ())),
                        preferred_element_type=jnp.float32) + bh_ref[...]
    h = jnp.where(h > 0, h, jnp.exp(h) - 1.0)
    o = lax.dot_general(h, wf_ref[...], (((1,), (1,)), ((), ())),
                        preferred_element_type=jnp.float32) + bf_ref[...]
    m = jnp.max(o, axis=1, keepdims=True)
    o = o - m
    s = jnp.log(jnp.sum(jnp.exp(o), axis=1, keepdims=True))
    o_ref[...] = o - s


def _tc_mlp(pooled, inv_len, W_h, b_h, W_f, b_f):
    return pl.pallas_call(
        _mlp_body,
        out_shape=jax.ShapeDtypeStruct((B, NCLS), jnp.float32),
    )(pooled, inv_len, W_h, b_h, W_f, b_f)


def kernel(x, x_len, table, W_h, b_h, W_f, b_f):
    x_blocks = x.reshape(NW, ROWS_PER_W, NCHUNK, CHUNK)
    pooled = _sc_pool(x_blocks, table).reshape(B, EMBED)
    inv_len = (1.0 / x_len.astype(jnp.float32)).reshape(B, 1)
    return _tc_mlp(pooled, inv_len, W_h, b_h.reshape(1, HIDDEN),
                   W_f, b_f.reshape(1, NCLS))

# --- scband reference (transcript-rebuilt; emitter-appended) ---
"""Pipeline reference for scband-fast-text-38577396253352 (READ-ONLY COPY).

The authoritative reference and input builder live on the scoring server;
editing this copy changes nothing except your own understanding.
"""

import jax, jax.numpy as jnp
import numpy as np

VOCAB = 1000000
EMBED = 64
HIDDEN = 128
NCLS = 50
B = 4096
L = 200


def setup_inputs(seed: int = 0) -> dict:
    key = jax.random.key(seed)
    k_x, k_len, k_tab, k_wh, k_bh, k_wf, k_bf = jax.random.split(key, 7)
    x = jax.random.randint(k_x, (B, L), 0, VOCAB, dtype=jnp.int64 if jax.config.read('jax_enable_x64') else jnp.int32).astype(jnp.int32)
    # lengths must be >= 1 to avoid division by zero (padding-aware lengths)
    x_len = jax.random.randint(k_len, (B,), 1, L + 1).astype(jnp.int32)
    table = jax.random.normal(k_tab, (VOCAB, EMBED), dtype=jnp.float32)
    table = table.at[0].set(0.0)  # padding_idx=0
    # xavier_uniform for linears
    lim_h = float(np.sqrt(6.0 / (EMBED + HIDDEN)))
    W_h = jax.random.uniform(k_wh, (HIDDEN, EMBED), minval=-lim_h, maxval=lim_h, dtype=jnp.float32)
    b_h = jax.random.uniform(k_bh, (HIDDEN,), minval=0.0, maxval=1.0, dtype=jnp.float32)
    lim_f = float(np.sqrt(6.0 / (HIDDEN + NCLS)))
    W_f = jax.random.uniform(k_wf, (NCLS, HIDDEN), minval=-lim_f, maxval=lim_f, dtype=jnp.float32)
    b_f = jax.random.uniform(k_bf, (NCLS,), minval=0.0, maxval=1.0, dtype=jnp.float32)
    return {"x": x, "x_len": x_len, "table": table, "W_h": W_h, "b_h": b_h, "W_f": W_f, "b_f": b_f}


def reference(x, x_len, table, W_h, b_h, W_f, b_f):
    # torch code: transpose(x) -> embed -> permute back; net effect is embedding on [B, L]
    embed = jnp.take(table, x, axis=0)          # [B, L, D] gather (SparseCore embedding lookup)
    embed = jnp.sum(embed, axis=1)              # [B, D] bag-of-ngrams sum
    embed = embed / x_len.astype(jnp.float32)[:, None]
    embed = jax.nn.elu(embed)
    # dropout is a no-op in eval mode (self.training=False)
    hdn = jax.nn.elu(embed @ W_h.T + b_h)
    hdn = hdn @ W_f.T + b_f
    return jax.nn.log_softmax(hdn, axis=1)

if __name__ == "__main__":
    import jax
    _d = setup_inputs()
    print(jax.jit(kernel)(*tuple(_d.values())))

</pallas_src>

<mosaic_0001>
#map = affine_map<(d0, d1) -> (0, 0, 0, 0)>
#map1 = affine_map<(d0, d1) -> (0, 0)>
#map2 = affine_map<(d0, d1) -> (0, 0, 0)>
module attributes {stable_mosaic.version = 14 : i64} {
  func.func @_sc_pool_body(%arg0: i32, %arg1: i32, %arg2: memref<32x128x2x100xi32, #tpu.memory_space<hbm>>, %arg3: memref<1000000x64xf32, #tpu.memory_space<hbm>>, %arg4: memref<32x128x64xf32, #tpu.memory_space<hbm>>, %arg5: memref<128x2x100xi32, #tpu.memory_space<vmem>>, %arg6: memref<4x200x64xf32, #tpu.memory_space<vmem>>, %arg7: memref<128x64xf32, #tpu.memory_space<vmem>>, %arg8: memref<!tpu.dma_semaphore, #tpu.memory_space<semaphore_mem>>, %arg9: memref<!tpu.dma_semaphore, #tpu.memory_space<semaphore_mem>>, %arg10: memref<!tpu.dma_semaphore, #tpu.memory_space<semaphore_mem>>, %arg11: memref<!tpu.dma_semaphore, #tpu.memory_space<semaphore_mem>>) attributes {dimension_semantics = [#tpu.dimension_semantics<core_parallel>, #tpu.dimension_semantics<subcore_parallel>], iteration_bounds = array<i64: 2, 16>, scalar_prefetch = 0 : i64, scratch_operands = 7 : i64, tpu.core_type = #tpu.core_type<sc_vector_subcore>, window_params = [{transform_indices = #map}, {transform_indices = #map1}, {transform_indices = #map2}]} {
    %mul3A = arith.constant 2 : i32
    %mul3A_0 = arith.muli %arg1, %mul3A : i32
    %add3A = arith.addi %mul3A_0, %arg0 : i32
    "tpu.region"() ({
      %run_scoped3A = tpu.sem_alloc : memref<!tpu.dma_semaphore, #tpu.memory_space<semaphore_mem>>
      %dma_start3A_109 = arith.constant 0 : i32
      %dma_start3A_110 = arith.constant 0 : i32
      %dma_start3A_111 = arith.constant 0 : i32
      %dma_start3A_112 = tpu.memref_slice %arg2[%add3A, %dma_start3A_109, %dma_start3A_110, %dma_start3A_111] : memref<32x128x2x100xi32, #tpu.memory_space<hbm>> -> memref<1x128x2x100xi32, #tpu.memory_space<hbm>>
      %dma_start3A_113 = tpu.memref_squeeze %dma_start3A_112 : memref<1x128x2x100xi32, #tpu.memory_space<hbm>> -> memref<128x2x100xi32, #tpu.memory_space<hbm>>
      %dma_start3A_114 = arith.constant 0 : i32
      %dma_start3A_115 = arith.constant 0 : i32
      %dma_start3A_116 = arith.constant 0 : i32
      %dma_start3A_117 = tpu.memref_slice %arg2[%add3A, %dma_start3A_114, %dma_start3A_115, %dma_start3A_116] : memref<32x128x2x100xi32, #tpu.memory_space<hbm>> -> memref<1x128x2x100xi32, #tpu.memory_space<hbm>>
      %dma_start3A_118 = tpu.memref_squeeze %dma_start3A_117 : memref<1x128x2x100xi32, #tpu.memory_space<hbm>> -> memref<128x2x100xi32, #tpu.memory_space<hbm>>
      tpu.enqueue_dma source(%dma_start3A_118 : memref<128x2x100xi32, #tpu.memory_space<hbm>>) target(%arg5 : memref<128x2x100xi32, #tpu.memory_space<vmem>>) target_semaphore(%run_scoped3A : memref<!tpu.dma_semaphore, #tpu.memory_space<semaphore_mem>>)
      %dma_wait3A = arith.constant 0 : i32
      %dma_wait3A_119 = arith.constant 0 : i32
      %dma_wait3A_120 = arith.constant 0 : i32
      %dma_wait3A_121 = tpu.memref_slice %arg2[%add3A, %dma_wait3A, %dma_wait3A_119, %dma_wait3A_120] : memref<32x128x2x100xi32, #tpu.memory_space<hbm>> -> memref<1x128x2x100xi32, #tpu.memory_space<hbm>>
      %dma_wait3A_122 = tpu.memref_squeeze %dma_wait3A_121 : memref<1x128x2x100xi32, #tpu.memory_space<hbm>> -> memref<128x2x100xi32, #tpu.memory_space<hbm>>
      %dma_wait3A_123 = arith.constant 0 : i32
      %dma_wait3A_124 = arith.constant 0 : i32
      %dma_wait3A_125 = arith.constant 0 : i32
      %dma_wait3A_126 = tpu.memref_slice %arg2[%add3A, %dma_wait3A_123, %dma_wait3A_124, %dma_wait3A_125] : memref<32x128x2x100xi32, #tpu.memory_space<hbm>> -> memref<1x128x2x100xi32, #tpu.memory_space<hbm>>
      %dma_wait3A_127 = tpu.memref_squeeze %dma_wait3A_126 : memref<1x128x2x100xi32, #tpu.memory_space<hbm>> -> memref<128x2x100xi32, #tpu.memory_space<hbm>>
      tpu.wait_dma2 semaphore(%run_scoped3A : memref<!tpu.dma_semaphore, #tpu.memory_space<semaphore_mem>>) src(%dma_wait3A_127 : memref<128x2x100xi32, #tpu.memory_space<hbm>>) dst(%arg5 : memref<128x2x100xi32, #tpu.memory_space<vmem>>)
      tpu.yield
    }) : () -> ()
    %dma_start3A = arith.constant 0 : i32
    %dma_start3A_1 = arith.constant 0 : i32
    %dma_start3A_2 = arith.constant 0 : i32
    %dma_start3A_3 = arith.constant 0 : i32
    %dma_start3A_4 = arith.constant 0 : i32
    %dma_start3A_5 = tpu.memref_slice %arg6[%dma_start3A_2, %dma_start3A_3, %dma_start3A_4] : memref<4x200x64xf32, #tpu.memory_space<vmem>> -> memref<1x100x64xf32, #tpu.memory_space<vmem>>
    %dma_start3A_6 = tpu.memref_squeeze %dma_start3A_5 : memref<1x100x64xf32, #tpu.memory_space<vmem>> -> memref<100x64xf32, #tpu.memory_space<vmem>>
    %dma_start3A_7 = arith.constant 0 : i32
    %dma_start3A_8 = tpu.memref_slice %arg5[%dma_start3A, %dma_start3A_1, %dma_start3A_7] : memref<128x2x100xi32, #tpu.memory_space<vmem>> -> memref<1x1x100xi32, #tpu.memory_space<vmem>>
    %dma_start3A_9 = tpu.memref_squeeze %dma_start3A_8 : memref<1x1x100xi32, #tpu.memory_space<vmem>> -> memref<100xi32, #tpu.memory_space<vmem>>
    %dma_start3A_10 = arith.constant 0 : i32
    %dma_start3A_11 = arith.constant 0 : i32
    %dma_start3A_12 = tpu.memref_slice %arg3[%dma_start3A_10, %dma_start3A_11] : memref<1000000x64xf32, #tpu.memory_space<hbm>> -> memref<1000000x64xf32, #tpu.memory_space<hbm>>
    tpu.enqueue_indirect_dma source(%dma_start3A_12 : memref<1000000x64xf32, #tpu.memory_space<hbm>>) target(%dma_start3A_6 : memref<100x64xf32, #tpu.memory_space<vmem>>) offsets(%dma_start3A_9 : memref<100xi32, #tpu.memory_space<vmem>>) semaphore(%arg8 : memref<!tpu.dma_semaphore, #tpu.memory_space<semaphore_mem>>)
    %dma_start3A_13 = arith.constant 0 : i32
    %dma_start3A_14 = arith.constant 1 : i32
    %dma_start3A_15 = arith.constant 0 : i32
    %dma_start3A_16 = arith.constant 100 : i32
    %dma_start3A_17 = arith.constant 0 : i32
    %dma_start3A_18 = tpu.memref_slice %arg6[%dma_start3A_15, %dma_start3A_16, %dma_start3A_17] : memref<4x200x64xf32, #tpu.memory_space<vmem>> -> memref<1x100x64xf32, #tpu.memory_space<vmem>>
    %dma_start3A_19 = tpu.memref_squeeze %dma_start3A_18 : memref<1x100x64xf32, #tpu.memory_space<vmem>> -> memref<100x64xf32, #tpu.memory_space<vmem>>
    %dma_start3A_20 = arith.constant 0 : i32
    %dma_start3A_21 = tpu.memref_slice %arg5[%dma_start3A_13, %dma_start3A_14, %dma_start3A_20] : memref<128x2x100xi32, #tpu.memory_space<vmem>> -> memref<1x1x100xi32, #tpu.memory_space<vmem>>
    %dma_start3A_22 = tpu.memref_squeeze %dma_start3A_21 : memref<1x1x100xi32, #tpu.memory_space<vmem>> -> memref<100xi32, #tpu.memory_space<vmem>>
    %dma_start3A_23 = arith.constant 0 : i32
    %dma_start3A_24 = arith.constant 0 : i32
    %dma_start3A_25 = tpu.memref_slice %arg3[%dma_start3A_23, %dma_start3A_24] : memref<1000000x64xf32, #tpu.memory_space<hbm>> -> memref<1000000x64xf32, #tpu.memory_space<hbm>>
    tpu.enqueue_indirect_dma source(%dma_start3A_25 : memref<1000000x64xf32, #tpu.memory_space<hbm>>) target(%dma_start3A_19 : memref<100x64xf32, #tpu.memory_space<vmem>>) offsets(%dma_start3A_22 : memref<100xi32, #tpu.memory_space<vmem>>) semaphore(%arg8 : memref<!tpu.dma_semaphore, #tpu.memory_space<semaphore_mem>>)
    %dma_start3A_26 = arith.constant 1 : i32
    %dma_start3A_27 = arith.constant 0 : i32
    %dma_start3A_28 = arith.constant 1 : i32
    %dma_start3A_29 = arith.constant 0 : i32
    %dma_start3A_30 = arith.constant 0 : i32
    %dma_start3A_31 = tpu.memref_slice %arg6[%dma_start3A_28, %dma_start3A_29, %dma_start3A_30] : memref<4x200x64xf32, #tpu.memory_space<vmem>> -> memref<1x100x64xf32, #tpu.memory_space<vmem>>
    %dma_start3A_32 = tpu.memref_squeeze %dma_start3A_31 : memref<1x100x64xf32, #tpu.memory_space<vmem>> -> memref<100x64xf32, #tpu.memory_space<vmem>>
    %dma_start3A_33 = arith.constant 0 : i32
    %dma_start3A_34 = tpu.memref_slice %arg5[%dma_start3A_26, %dma_start3A_27, %dma_start3A_33] : memref<128x2x100xi32, #tpu.memory_space<vmem>> -> memref<1x1x100xi32, #tpu.memory_space<vmem>>
    %dma_start3A_35 = tpu.memref_squeeze %dma_start3A_34 : memref<1x1x100xi32, #tpu.memory_space<vmem>> -> memref<100xi32, #tpu.memory_space<vmem>>
    %dma_start3A_36 = arith.constant 0 : i32
    %dma_start3A_37 = arith.constant 0 : i32
    %dma_start3A_38 = tpu.memref_slice %arg3[%dma_start3A_36, %dma_start3A_37] : memref<1000000x64xf32, #tpu.memory_space<hbm>> -> memref<1000000x64xf32, #tpu.memory_space<hbm>>
    tpu.enqueue_indirect_dma source(%dma_start3A_38 : memref<1000000x64xf32, #tpu.memory_space<hbm>>) target(%dma_start3A_32 : memref<100x64xf32, #tpu.memory_space<vmem>>) offsets(%dma_start3A_35 : memref<100xi32, #tpu.memory_space<vmem>>) semaphore(%arg9 : memref<!tpu.dma_semaphore, #tpu.memory_space<semaphore_mem>>)
    %dma_start3A_39 = arith.constant 1 : i32
    %dma_start3A_40 = arith.constant 1 : i32
    %dma_start3A_41 = arith.constant 1 : i32
    %dma_start3A_42 = arith.constant 100 : i32
    %dma_start3A_43 = arith.constant 0 : i32
    %dma_start3A_44 = tpu.memref_slice %arg6[%dma_start3A_41, %dma_start3A_42, %dma_start3A_43] : memref<4x200x64xf32, #tpu.memory_space<vmem>> -> memref<1x100x64xf32, #tpu.memory_space<vmem>>
    %dma_start3A_45 = tpu.memref_squeeze %dma_start3A_44 : memref<1x100x64xf32, #tpu.memory_space<vmem>> -> memref<100x64xf32, #tpu.memory_space<vmem>>
    %dma_start3A_46 = arith.constant 0 : i32
    %dma_start3A_47 = tpu.memref_slice %arg5[%dma_start3A_39, %dma_start3A_40, %dma_start3A_46] : memref<128x2x100xi32, #tpu.memory_space<vmem>> -> memref<1x1x100xi32, #tpu.memory_space<vmem>>
    %dma_start3A_48 = tpu.memref_squeeze %dma_start3A_47 : memref<1x1x100xi32, #tpu.memory_space<vmem>> -> memref<100xi32, #tpu.memory_space<vmem>>
    %dma_start3A_49 = arith.constant 0 : i32
    %dma_start3A_50 = arith.constant 0 : i32
    %dma_start3A_51 = tpu.memref_slice %arg3[%dma_start3A_49, %dma_start3A_50] : memref<1000000x64xf32, #tpu.memory_space<hbm>> -> memref<1000000x64xf32, #tpu.memory_space<hbm>>
    tpu.enqueue_indirect_dma source(%dma_start3A_51 : memref<1000000x64xf32, #tpu.memory_space<hbm>>) target(%dma_start3A_45 : memref<100x64xf32, #tpu.memory_space<vmem>>) offsets(%dma_start3A_48 : memref<100xi32, #tpu.memory_space<vmem>>) semaphore(%arg9 : memref<!tpu.dma_semaphore, #tpu.memory_space<semaphore_mem>>)
    %dma_start3A_52 = arith.constant 2 : i32
    %dma_start3A_53 = arith.constant 0 : i32
    %dma_start3A_54 = arith.constant 2 : i32
    %dma_start3A_55 = arith.constant 0 : i32
    %dma_start3A_56 = arith.constant 0 : i32
    %dma_start3A_57 = tpu.memref_slice %arg6[%dma_start3A_54, %dma_start3A_55, %dma_start3A_56] : memref<4x200x64xf32, #tpu.memory_space<vmem>> -> memref<1x100x64xf32, #tpu.memory_space<vmem>>
    %dma_start3A_58 = tpu.memref_squeeze %dma_start3A_57 : memref<1x100x64xf32, #tpu.memory_space<vmem>> -> memref<100x64xf32, #tpu.memory_space<vmem>>
    %dma_start3A_59 = arith.constant 0 : i32
    %dma_start3A_60 = tpu.memref_slice %arg5[%dma_start3A_52, %dma_start3A_53, %dma_start3A_59] : memref<128x2x100xi32, #tpu.memory_space<vmem>> -> memref<1x1x100xi32, #tpu.memory_space<vmem>>
    %dma_start3A_61 = tpu.memref_squeeze %dma_start3A_60 : memref<1x1x100xi32, #tpu.memory_space<vmem>> -> memref<100xi32, #tpu.memory_space<vmem>>
    %dma_start3A_62 = arith.constant 0 : i32
    %dma_start3A_63 = arith.constant 0 : i32
    %dma_start3A_64 = tpu.memref_slice %arg3[%dma_start3A_62, %dma_start3A_63] : memref<1000000x64xf32, #tpu.memory_space<hbm>> -> memref<1000000x64xf32, #tpu.memory_space<hbm>>
    tpu.enqueue_indirect_dma source(%dma_start3A_64 : memref<1000000x64xf32, #tpu.memory_space<hbm>>) target(%dma_start3A_58 : memref<100x64xf32, #tpu.memory_space<vmem>>) offsets(%dma_start3A_61 : memref<100xi32, #tpu.memory_space<vmem>>) semaphore(%arg10 : memref<!tpu.dma_semaphore, #tpu.memory_space<semaphore_mem>>)
    %dma_start3A_65 = arith.constant 2 : i32
    %dma_start3A_66 = arith.constant 1 : i32
    %dma_start3A_67 = arith.constant 2 : i32
    %dma_start3A_68 = arith.constant 100 : i32
    %dma_start3A_69 = arith.constant 0 : i32
    %dma_start3A_70 = tpu.memref_slice %arg6[%dma_start3A_67, %dma_start3A_68, %dma_start3A_69] : memref<4x200x64xf32, #tpu.memory_space<vmem>> -> memref<1x100x64xf32, #tpu.memory_space<vmem>>
    %dma_start3A_71 = tpu.memref_squeeze %dma_start3A_70 : memref<1x100x64xf32, #tpu.memory_space<vmem>> -> memref<100x64xf32, #tpu.memory_space<vmem>>
    %dma_start3A_72 = arith.constant 0 : i32
    %dma_start3A_73 = tpu.memref_slice %arg5[%dma_start3A_65, %dma_start3A_66, %dma_start3A_72] : memref<128x2x100xi32, #tpu.memory_space<vmem>> -> memref<1x1x100xi32, #tpu.memory_space<vmem>>
    %dma_start3A_74 = tpu.memref_squeeze %dma_start3A_73 : memref<1x1x100xi32, #tpu.memory_space<vmem>> -> memref<100xi32, #tpu.memory_space<vmem>>
    %dma_start3A_75 = arith.constant 0 : i32
    %dma_start3A_76 = arith.constant 0 : i32
    %dma_start3A_77 = tpu.memref_slice %arg3[%dma_start3A_75, %dma_start3A_76] : memref<1000000x64xf32, #tpu.memory_space<hbm>> -> memref<1000000x64xf32, #tpu.memory_space<hbm>>
    tpu.enqueue_indirect_dma source(%dma_start3A_77 : memref<1000000x64xf32, #tpu.memory_space<hbm>>) target(%dma_start3A_71 : memref<100x64xf32, #tpu.memory_space<vmem>>) offsets(%dma_start3A_74 : memref<100xi32, #tpu.memory_space<vmem>>) semaphore(%arg10 : memref<!tpu.dma_semaphore, #tpu.memory_space<semaphore_mem>>)
    %dma_start3A_78 = arith.constant 3 : i32
    %dma_start3A_79 = arith.constant 0 : i32
    %dma_start3A_80 = arith.constant 3 : i32
    %dma_start3A_81 = arith.constant 0 : i32
    %dma_start3A_82 = arith.constant 0 : i32
    %dma_start3A_83 = tpu.memref_slice %arg6[%dma_start3A_80, %dma_start3A_81, %dma_start3A_82] : memref<4x200x64xf32, #tpu.memory_space<vmem>> -> memref<1x100x64xf32, #tpu.memory_space<vmem>>
    %dma_start3A_84 = tpu.memref_squeeze %dma_start3A_83 : memref<1x100x64xf32, #tpu.memory_space<vmem>> -> memref<100x64xf32, #tpu.memory_space<vmem>>
    %dma_start3A_85 = arith.constant 0 : i32
    %dma_start3A_86 = tpu.memref_slice %arg5[%dma_start3A_78, %dma_start3A_79, %dma_start3A_85] : memref<128x2x100xi32, #tpu.memory_space<vmem>> -> memref<1x1x100xi32, #tpu.memory_space<vmem>>
    %dma_start3A_87 = tpu.memref_squeeze %dma_start3A_86 : memref<1x1x100xi32, #tpu.memory_space<vmem>> -> memref<100xi32, #tpu.memory_space<vmem>>
    %dma_start3A_88 = arith.constant 0 : i32
    %dma_start3A_89 = arith.constant 0 : i32
    %dma_start3A_90 = tpu.memref_slice %arg3[%dma_start3A_88, %dma_start3A_89] : memref<1000000x64xf32, #tpu.memory_space<hbm>> -> memref<1000000x64xf32, #tpu.memory_space<hbm>>
    tpu.enqueue_indirect_dma source(%dma_start3A_90 : memref<1000000x64xf32, #tpu.memory_space<hbm>>) target(%dma_start3A_84 : memref<100x64xf32, #tpu.memory_space<vmem>>) offsets(%dma_start3A_87 : memref<100xi32, #tpu.memory_space<vmem>>) semaphore(%arg11 : memref<!tpu.dma_semaphore, #tpu.memory_space<semaphore_mem>>)
    %dma_start3A_91 = arith.constant 3 : i32
    %dma_start3A_92 = arith.constant 1 : i32
    %dma_start3A_93 = arith.constant 3 : i32
    %dma_start3A_94 = arith.constant 100 : i32
    %dma_start3A_95 = arith.constant 0 : i32
    %dma_start3A_96 = tpu.memref_slice %arg6[%dma_start3A_93, %dma_start3A_94, %dma_start3A_95] : memref<4x200x64xf32, #tpu.memory_space<vmem>> -> memref<1x100x64xf32, #tpu.memory_space<vmem>>
    %dma_start3A_97 = tpu.memref_squeeze %dma_start3A_96 : memref<1x100x64xf32, #tpu.memory_space<vmem>> -> memref<100x64xf32, #tpu.memory_space<vmem>>
    %dma_start3A_98 = arith.constant 0 : i32
    %dma_start3A_99 = tpu.memref_slice %arg5[%dma_start3A_91, %dma_start3A_92, %dma_start3A_98] : memref<128x2x100xi32, #tpu.memory_space<vmem>> -> memref<1x1x100xi32, #tpu.memory_space<vmem>>
    %dma_start3A_100 = tpu.memref_squeeze %dma_start3A_99 : memref<1x1x100xi32, #tpu.memory_space<vmem>> -> memref<100xi32, #tpu.memory_space<vmem>>
    %dma_start3A_101 = arith.constant 0 : i32
    %dma_start3A_102 = arith.constant 0 : i32
    %dma_start3A_103 = tpu.memref_slice %arg3[%dma_start3A_101, %dma_start3A_102] : memref<1000000x64xf32, #tpu.memory_space<hbm>> -> memref<1000000x64xf32, #tpu.memory_space<hbm>>
    tpu.enqueue_indirect_dma source(%dma_start3A_103 : memref<1000000x64xf32, #tpu.memory_space<hbm>>) target(%dma_start3A_97 : memref<100x64xf32, #tpu.memory_space<vmem>>) offsets(%dma_start3A_100 : memref<100xi32, #tpu.memory_space<vmem>>) semaphore(%arg11 : memref<!tpu.dma_semaphore, #tpu.memory_space<semaphore_mem>>)
    %broadcast_in_dim3A = arith.constant 0.000000e+00 : f32
    %broadcast_in_dim3A_104 = vector.broadcast %broadcast_in_dim3A : f32 to vector<16xf32>
    %scan3A = arith.constant 0 : i32
    %scan3A_105 = arith.constant 32 : i32
    %scan3A_106 = arith.addi %scan3A, %scan3A_105 : i32
    %scan3A_107 = arith.constant 1 : i32
    scf.for %scan3A_109 = %scan3A to %scan3A_106 step %scan3A_107  : i32 {
      %mul3A_110 = arith.constant 4 : i32
      %mul3A_111 = arith.muli %scan3A_109, %mul3A_110 : i32
      %add3A_112 = arith.constant 0 : i32
      %add3A_113 = arith.addi %mul3A_111, %add3A_112 : i32
      %dma_wait3A = arith.constant 0 : i32
      %dma_wait3A_114 = arith.constant 0 : i32
      %dma_wait3A_115 = arith.constant 0 : i32
      %dma_wait3A_116 = arith.constant 0 : i32
      %dma_wait3A_117 = arith.constant 0 : i32
      %dma_wait3A_118 = tpu.memref_slice %arg6[%dma_wait3A_115, %dma_wait3A_116, %dma_wait3A_117] : memref<4x200x64xf32, #tpu.memory_space<vmem>> -> memref<1x100x64xf32, #tpu.memory_space<vmem>>
      %dma_wait3A_119 = tpu.memref_squeeze %dma_wait3A_118 : memref<1x100x64xf32, #tpu.memory_space<vmem>> -> memref<100x64xf32, #tpu.memory_space<vmem>>
      %dma_wait3A_120 = arith.constant 0 : i32
      %dma_wait3A_121 = tpu.memref_slice %arg5[%dma_wait3A, %dma_wait3A_114, %dma_wait3A_120] : memref<128x2x100xi32, #tpu.memory_space<vmem>> -> memref<1x1x100xi32, #tpu.memory_space<vmem>>
      %dma_wait3A_122 = tpu.memref_squeeze %dma_wait3A_121 : memref<1x1x100xi32, #tpu.memory_space<vmem>> -> memref<100xi32, #tpu.memory_space<vmem>>
      %dma_wait3A_123 = arith.constant 0 : i32
      %dma_wait3A_124 = arith.constant 0 : i32
      %dma_wait3A_125 = tpu.memref_slice %arg3[%dma_wait3A_123, %dma_wait3A_124] : memref<1000000x64xf32, #tpu.memory_space<hbm>> -> memref<1000000x64xf32, #tpu.memory_space<hbm>>
      tpu.wait_indirect_dma semaphore(%arg8 : memref<!tpu.dma_semaphore, #tpu.memory_space<semaphore_mem>>) src(%dma_wait3A_125 : memref<1000000x64xf32, #tpu.memory_space<hbm>>) dst(%dma_wait3A_119 : memref<100x64xf32, #tpu.memory_space<vmem>>)
      %dma_wait3A_126 = arith.constant 0 : i32
      %dma_wait3A_127 = arith.constant 1 : i32
      %dma_wait3A_128 = arith.constant 0 : i32
      %dma_wait3A_129 = arith.constant 100 : i32
      %dma_wait3A_130 = arith.constant 0 : i32
      %dma_wait3A_131 = tpu.memref_slice %arg6[%dma_wait3A_128, %dma_wait3A_129, %dma_wait3A_130] : memref<4x200x64xf32, #tpu.memory_space<vmem>> -> memref<1x100x64xf32, #tpu.memory_space<vmem>>
      %dma_wait3A_132 = tpu.memref_squeeze %dma_wait3A_131 : memref<1x100x64xf32, #tpu.memory_space<vmem>> -> memref<100x64xf32, #tpu.memory_space<vmem>>
      %dma_wait3A_133 = arith.constant 0 : i32
      %dma_wait3A_134 = tpu.memref_slice %arg5[%dma_wait3A_126, %dma_wait3A_127, %dma_wait3A_133] : memref<128x2x100xi32, #tpu.memory_space<vmem>> -> memref<1x1x100xi32, #tpu.memory_space<vmem>>
      %dma_wait3A_135 = tpu.memref_squeeze %dma_wait3A_134 : memref<1x1x100xi32, #tpu.memory_space<vmem>> -> memref<100xi32, #tpu.memory_space<vmem>>
      %dma_wait3A_136 = arith.constant 0 : i32
      %dma_wait3A_137 = arith.constant 0 : i32
      %dma_wait3A_138 = tpu.memref_slice %arg3[%dma_wait3A_136, %dma_wait3A_137] : memref<1000000x64xf32, #tpu.memory_space<hbm>> -> memref<1000000x64xf32, #tpu.memory_space<hbm>>
      tpu.wait_indirect_dma semaphore(%arg8 : memref<!tpu.dma_semaphore, #tpu.memory_space<semaphore_mem>>) src(%dma_wait3A_138 : memref<1000000x64xf32, #tpu.memory_space<hbm>>) dst(%dma_wait3A_132 : memref<100x64xf32, #tpu.memory_space<vmem>>)
      %scan3A_139 = arith.constant 0 : i32
      %scan3A_140 = arith.constant 25 : i32
      %scan3A_141 = arith.addi %scan3A_139, %scan3A_140 : i32
      %scan3A_142 = arith.constant 1 : i32
      %scan3A_143:8 = scf.for %scan3A_367 = %scan3A_139 to %scan3A_141 step %scan3A_142 iter_args(%scan3A_368 = %broadcast_in_dim3A_104, %scan3A_369 = %broadcast_in_dim3A_104, %scan3A_370 = %broadcast_in_dim3A_104, %scan3A_371 = %broadcast_in_dim3A_104, %scan3A_372 = %broadcast_in_dim3A_104, %scan3A_373 = %broadcast_in_dim3A_104, %scan3A_374 = %broadcast_in_dim3A_104, %scan3A_375 = %broadcast_in_dim3A_104) -> (vector<16xf32>, vector<16xf32>, vector<16xf32>, vector<16xf32>, vector<16xf32>, vector<16xf32>, vector<16xf32>, vector<16xf32>)  : i32 {
        %mul3A_376 = arith.constant 8 : i32
        %mul3A_377 = arith.muli %scan3A_367, %mul3A_376 : i32
        %add3A_378 = arith.constant 0 : i32
        %add3A_379 = arith.addi %mul3A_377, %add3A_378 : i32
        %get3A = arith.constant 0 : i32
        %get3A_380 = arith.index_cast %get3A : i32 to index
        %get3A_381 = arith.index_cast %add3A_379 : i32 to index
        %get3A_382 = arith.constant 0 : index
        %get3A_383 = tpu.vector_load %arg6[%get3A_380, %get3A_381, %get3A_382] {strides = array<i32>} : memref<4x200x64xf32, #tpu.memory_space<vmem>>, vector<1x1x16xf32>,
        %get3A_384 = vector.shape_cast %get3A_383 : vector<1x1x16xf32> to vector<16xf32>
        %add3A_385 = arith.addf %scan3A_368, %get3A_384 : vector<16xf32>
        %add3A_386 = arith.constant 0 : i32
        %add3A_387 = arith.addi %mul3A_377, %add3A_386 : i32
        %get3A_388 = arith.constant 0 : i32
        %get3A_389 = arith.index_cast %get3A_388 : i32 to index
        %get3A_390 = arith.index_cast %add3A_387 : i32 to index
        %get3A_391 = arith.constant 16 : index
        %get3A_392 = tpu.vector_load %arg6[%get3A_389, %get3A_390, %get3A_391] {strides = array<i32>} : memref<4x200x64xf32, #tpu.memory_space<vmem>>, vector<1x1x16xf32>,
        %get3A_393 = vector.shape_cast %get3A_392 : vector<1x1x16xf32> to vector<16xf32>
        %add3A_394 = arith.addf %scan3A_369, %get3A_393 : vector<16xf32>
        %add3A_395 = arith.constant 0 : i32
        %add3A_396 = arith.addi %mul3A_377, %add3A_395 : i32
        %get3A_397 = arith.constant 0 : i32
        %get3A_398 = arith.index_cast %get3A_397 : i32 to index
        %get3A_399 = arith.index_cast %add3A_396 : i32 to index
        %get3A_400 = arith.constant 32 : index
        %get3A_401 = tpu.vector_load %arg6[%get3A_398, %get3A_399, %get3A_400] {strides = array<i32>} : memref<4x200x64xf32, #tpu.memory_space<vmem>>, vector<1x1x16xf32>,
        %get3A_402 = vector.shape_cast %get3A_401 : vector<1x1x16xf32> to vector<16xf32>
        %add3A_403 = arith.addf %scan3A_370, %get3A_402 : vector<16xf32>
        %add3A_404 = arith.constant 0 : i32
        %add3A_405 = arith.addi %mul3A_377, %add3A_404 : i32
        %get3A_406 = arith.constant 0 : i32
        %get3A_407 = arith.index_cast %get3A_406 : i32 to index
        %get3A_408 = arith.index_cast %add3A_405 : i32 to index
        %get3A_409 = arith.constant 48 : index
        %get3A_410 = tpu.vector_load %arg6[%get3A_407, %get3A_408, %get3A_409] {strides = array<i32>} : memref<4x200x64xf32, #tpu.memory_space<vmem>>, vector<1x1x16xf32>,
        %get3A_411 = vector.shape_cast %get3A_410 : vector<1x1x16xf32> to vector<16xf32>
        %add3A_412 = arith.addf %scan3A_371, %get3A_411 : vector<16xf32>
        %add3A_413 = arith.constant 1 : i32
        %add3A_414 = arith.addi %mul3A_377, %add3A_413 : i32
        %get3A_415 = arith.constant 0 : i32
        %get3A_416 = arith.index_cast %get3A_415 : i32 to index
        %get3A_417 = arith.index_cast %add3A_414 : i32 to index
        %get3A_418 = arith.constant 0 : index
        %get3A_419 = tpu.vector_load %arg6[%get3A_416, %get3A_417, %get3A_418] {strides = array<i32>} : memref<4x200x64xf32, #tpu.memory_space<vmem>>, vector<1x1x16xf32>,
        %get3A_420 = vector.shape_cast %get3A_419 : vector<1x1x16xf32> to vector<16xf32>
        %add3A_421 = arith.addf %scan3A_372, %get3A_420 : vector<16xf32>
        %add3A_422 = arith.constant 1 : i32
        %add3A_423 = arith.addi %mul3A_377, %add3A_422 : i32
        %get3A_424 = arith.constant 0 : i32
        %get3A_425 = arith.index_cast %get3A_424 : i32 to index
        %get3A_426 = arith.index_cast %add3A_423 : i32 to index
        %get3A_427 = arith.constant 16 : index
        %get3A_428 = tpu.vector_load %arg6[%get3A_425, %get3A_426, %get3A_427] {strides = array<i32>} : memref<4x200x64xf32, #tpu.memory_space<vmem>>, vector<1x1x16xf32>,
        %get3A_429 = vector.shape_cast %get3A_428 : vector<1x1x16xf32> to vector<16xf32>
        %add3A_430 = arith.addf %scan3A_373, %get3A_429 : vector<16xf32>
        %add3A_431 = arith.constant 1 : i32
        %add3A_432 = arith.addi %mul3A_377, %add3A_431 : i32
        %get3A_433 = arith.constant 0 : i32
        %get3A_434 = arith.index_cast %get3A_433 : i32 to index
        %get3A_435 = arith.index_cast %add3A_432 : i32 to index
        %get3A_436 = arith.constant 32 : index
        %get3A_437 = tpu.vector_load %arg6[%get3A_434, %get3A_435, %get3A_436] {strides = array<i32>} : memref<4x200x64xf32, #tpu.memory_space<vmem>>, vector<1x1x16xf32>,
        %get3A_438 = vector.shape_cast %get3A_437 : vector<1x1x16xf32> to vector<16xf32>
        %add3A_439 = arith.addf %scan3A_374, %get3A_438 : vector<16xf32>
        %add3A_440 = arith.constant 1 : i32
        %add3A_441 = arith.addi %mul3A_377, %add3A_440 : i32
        %get3A_442 = arith.constant 0 : i32
        %get3A_443 = arith.index_cast %get3A_442 : i32 to index
        %get3A_444 = arith.index_cast %add3A_441 : i32 to index
        %get3A_445 = arith.constant 48 : index
        %get3A_446 = tpu.vector_load %arg6[%get3A_443, %get3A_444, %get3A_445] {strides = array<i32>} : memref<4x200x64xf32, #tpu.memory_space<vmem>>, vector<1x1x16xf32>,
        %get3A_447 = vector.shape_cast %get3A_446 : vector<1x1x16xf32> to vector<16xf32>
        %add3A_448 = arith.addf %scan3A_375, %get3A_447 : vector<16xf32>
        %add3A_449 = arith.constant 2 : i32
        %add3A_450 = arith.addi %mul3A_377, %add3A_449 : i32
        %get3A_451 = arith.constant 0 : i32
        %get3A_452 = arith.index_cast %get3A_451 : i32 to index
        %get3A_453 = arith.index_cast %add3A_450 : i32 to index
        %get3A_454 = arith.constant 0 : index
        %get3A_455 = tpu.vector_load %arg6[%get3A_452, %get3A_453, %get3A_454] {strides = array<i32>} : memref<4x200x64xf32, #tpu.memory_space<vmem>>, vector<1x1x16xf32>,
        %get3A_456 = vector.shape_cast %get3A_455 : vector<1x1x16xf32> to vector<16xf32>
        %add3A_457 = arith.addf %add3A_385, %get3A_456 : vector<16xf32>
        %add3A_458 = arith.constant 2 : i32
        %add3A_459 = arith.addi %mul3A_377, %add3A_458 : i32
        %get3A_460 = arith.constant 0 : i32
        %get3A_461 = arith.index_cast %get3A_460 : i32 to index
        %get3A_462 = arith.index_cast %add3A_459 : i32 to index
        %get3A_463 = arith.constant 16 : index
        %get3A_464 = tpu.vector_load %arg6[%get3A_461, %get3A_462, %get3A_463] {strides = array<i32>} : memref<4x200x64xf32, #tpu.memory_space<vmem>>, vector<1x1x16xf32>,
        %get3A_465 = vector.shape_cast %get3A_464 : vector<1x1x16xf32> to vector<16xf32>
        %add3A_466 = arith.addf %add3A_394, %get3A_465 : vector<16xf32>
        %add3A_467 = arith.constant 2 : i32
        %add3A_468 = arith.addi %mul3A_377, %add3A_467 : i32
        %get3A_469 = arith.constant 0 : i32
        %get3A_470 = arith.index_cast %get3A_469 : i32 to index
        %get3A_471 = arith.index_cast %add3A_468 : i32 to index
        %get3A_472 = arith.constant 32 : index
        %get3A_473 = tpu.vector_load %arg6[%get3A_470, %get3A_471, %get3A_472] {strides = array<i32>} : memref<4x200x64xf32, #tpu.memory_space<vmem>>, vector<1x1x16xf32>,
        %get3A_474 = vector.shape_cast %get3A_473 : vector<1x1x16xf32> to vector<16xf32>
        %add3A_475 = arith.addf %add3A_403, %get3A_474 : vector<16xf32>
        %add3A_476 = arith.constant 2 : i32
        %add3A_477 = arith.addi %mul3A_377, %add3A_476 : i32
        %get3A_478 = arith.constant 0 : i32
        %get3A_479 = arith.index_cast %get3A_478 : i32 to index
        %get3A_480 = arith.index_cast %add3A_477 : i32 to index
        %get3A_481 = arith.constant 48 : index
        %get3A_482 = tpu.vector_load %arg6[%get3A_479, %get3A_480, %get3A_481] {strides = array<i32>} : memref<4x200x64xf32, #tpu.memory_space<vmem>>, vector<1x1x16xf32>,
        %get3A_483 = vector.shape_cast %get3A_482 : vector<1x1x16xf32> to vector<16xf32>
        %add3A_484 = arith.addf %add3A_412, %get3A_483 : vector<16xf32>
        %add3A_485 = arith.constant 3 : i32
        %add3A_486 = arith.addi %mul3A_377, %add3A_485 : i32
        %get3A_487 = arith.constant 0 : i32
        %get3A_488 = arith.index_cast %get3A_487 : i32 to index
        %get3A_489 = arith.index_cast %add3A_486 : i32 to index
        %get3A_490 = arith.constant 0 : index
        %get3A_491 = tpu.vector_load %arg6[%get3A_488, %get3A_489, %get3A_490] {strides = array<i32>} : memref<4x200x64xf32, #tpu.memory_space<vmem>>, vector<1x1x16xf32>,
        %get3A_492 = vector.shape_cast %get3A_491 : vector<1x1x16xf32> to vector<16xf32>
        %add3A_493 = arith.addf %add3A_421, %get3A_492 : vector<16xf32>
        %add3A_494 = arith.constant 3 : i32
        %add3A_495 = arith.addi %mul3A_377, %add3A_494 : i32
        %get3A_496 = arith.constant 0 : i32
        %get3A_497 = arith.index_cast %get3A_496 : i32 to index
        %get3A_498 = arith.index_cast %add3A_495 : i32 to index
        %get3A_499 = arith.constant 16 : index
        %get3A_500 = tpu.vector_load %arg6[%get3A_497, %get3A_498, %get3A_499] {strides = array<i32>} : memref<4x200x64xf32, #tpu.memory_space<vmem>>, vector<1x1x16xf32>,
        %get3A_501 = vector.shape_cast %get3A_500 : vector<1x1x16xf32> to vector<16xf32>
        %add3A_502 = arith.addf %add3A_430, %get3A_501 : vector<16xf32>
        %add3A_503 = arith.constant 3 : i32
        %add3A_504 = arith.addi %mul3A_377, %add3A_503 : i32
        %get3A_505 = arith.constant 0 : i32
        %get3A_506 = arith.index_cast %get3A_505 : i32 to index
        %get3A_507 = arith.index_cast %add3A_504 : i32 to index
        %get3A_508 = arith.constant 32 : index
        %get3A_509 = tpu.vector_load %arg6[%get3A_506, %get3A_507, %get3A_508] {strides = array<i32>} : memref<4x200x64xf32, #tpu.memory_space<vmem>>, vector<1x1x16xf32>,
        %get3A_510 = vector.shape_cast %get3A_509 : vector<1x1x16xf32> to vector<16xf32>
        %add3A_511 = arith.addf %add3A_439, %get3A_510 : vector<16xf32>
        %add3A_512 = arith.constant 3 : i32
        %add3A_513 = arith.addi %mul3A_377, %add3A_512 : i32
        %get3A_514 = arith.constant 0 : i32
        %get3A_515 = arith.index_cast %get3A_514 : i32 to index
        %get3A_516 = arith.index_cast %add3A_513 : i32 to index
        %get3A_517 = arith.constant 48 : index
        %get3A_518 = tpu.vector_load %arg6[%get3A_515, %get3A_516, %get3A_517] {strides = array<i32>} : memref<4x200x64xf32, #tpu.memory_space<vmem>>, vector<1x1x16xf32>,
        %get3A_519 = vector.shape_cast %get3A_518 : vector<1x1x16xf32> to vector<16xf32>
        %add3A_520 = arith.addf %add3A_448, %get3A_519 : vector<16xf32>
        %add3A_521 = arith.constant 4 : i32
        %add3A_522 = arith.addi %mul3A_377, %add3A_521 : i32
        %get3A_523 = arith.constant 0 : i32
        %get3A_524 = arith.index_cast %get3A_523 : i32 to index
        %get3A_525 = arith.index_cast %add3A_522 : i32 to index
        %get3A_526 = arith.constant 0 : index
        %get3A_527 = tpu.vector_load %arg6[%get3A_524, %get3A_525, %get3A_526] {strides = array<i32>} : memref<4x200x64xf32, #tpu.memory_space<vmem>>, vector<1x1x16xf32>,
        %get3A_528 = vector.shape_cast %get3A_527 : vector<1x1x16xf32> to vector<16xf32>
        %add3A_529 = arith.addf %add3A_457, %get3A_528 : vector<16xf32>
        %add3A_530 = arith.constant 4 : i32
        %add3A_531 = arith.addi %mul3A_377, %add3A_530 : i32
        %get3A_532 = arith.constant 0 : i32
        %get3A_533 = arith.index_cast %get3A_532 : i32 to index
        %get3A_534 = arith.index_cast %add3A_531 : i32 to index
        %get3A_535 = arith.constant 16 : index
        %get3A_536 = tpu.vector_load %arg6[%get3A_533, %get3A_534, %get3A_535] {strides = array<i32>} : memref<4x200x64xf32, #tpu.memory_space<vmem>>, vector<1x1x16xf32>,
        %get3A_537 = vector.shape_cast %get3A_536 : vector<1x1x16xf32> to vector<16xf32>
        %add3A_538 = arith.addf %add3A_466, %get3A_537 : vector<16xf32>
        %add3A_539 = arith.constant 4 : i32
        %add3A_540 = arith.addi %mul3A_377, %add3A_539 : i32
        %get3A_541 = arith.constant 0 : i32
        %get3A_542 = arith.index_cast %get3A_541 : i32 to index
        %get3A_543 = arith.index_cast %add3A_540 : i32 to index
        %get3A_544 = arith.constant 32 : index
        %get3A_545 = tpu.vector_load %arg6[%get3A_542, %get3A_543, %get3A_544] {strides = array<i32>} : memref<4x200x64xf32, #tpu.memory_space<vmem>>, vector<1x1x16xf32>,
        %get3A_546 = vector.shape_cast %get3A_545 : vector<1x1x16xf32> to vector<16xf32>
        %add3A_547 = arith.addf %add3A_475, %get3A_546 : vector<16xf32>
        %add3A_548 = arith.constant 4 : i32
        %add3A_549 = arith.addi %mul3A_377, %add3A_548 : i32
        %get3A_550 = arith.constant 0 : i32
        %get3A_551 = arith.index_cast %get3A_550 : i32 to index
        %get3A_552 = arith.index_cast %add3A_549 : i32 to index
        %get3A_553 = arith.constant 48 : index
        %get3A_554 = tpu.vector_load %arg6[%get3A_551, %get3A_552, %get3A_553] {strides = array<i32>} : memref<4x200x64xf32, #tpu.memory_space<vmem>>, vector<1x1x16xf32>,
        %get3A_555 = vector.shape_cast %get3A_554 : vector<1x1x16xf32> to vector<16xf32>
        %add3A_556 = arith.addf %add3A_484, %get3A_555 : vector<16xf32>
        %add3A_557 = arith.constant 5 : i32
        %add3A_558 = arith.addi %mul3A_377, %add3A_557 : i32
        %get3A_559 = arith.constant 0 : i32
        %get3A_560 = arith.index_cast %get3A_559 : i32 to index
        %get3A_561 = arith.index_cast %add3A_558 : i32 to index
        %get3A_562 = arith.constant 0 : index
        %get3A_563 = tpu.vector_load %arg6[%get3A_560, %get3A_561, %get3A_562] {strides = array<i32>} : memref<4x200x64xf32, #tpu.memory_space<vmem>>, vector<1x1x16xf32>,
        %get3A_564 = vector.shape_cast %get3A_563 : vector<1x1x16xf32> to vector<16xf32>
        %add3A_565 = arith.addf %add3A_493, %get3A_564 : vector<16xf32>
        %add3A_566 = arith.constant 5 : i32
        %add3A_567 = arith.addi %mul3A_377, %add3A_566 : i32
        %get3A_568 = arith.constant 0 : i32
        %get3A_569 = arith.index_cast %get3A_568 : i32 to index
        %get3A_570 = arith.index_cast %add3A_567 : i32 to index
        %get3A_571 = arith.constant 16 : index
        %get3A_572 = tpu.vector_load %arg6[%get3A_569, %get3A_570, %get3A_571] {strides = array<i32>} : memref<4x200x64xf32, #tpu.memory_space<vmem>>, vector<1x1x16xf32>,
        %get3A_573 = vector.shape_cast %get3A_572 : vector<1x1x16xf32> to vector<16xf32>
        %add3A_574 = arith.addf %add3A_502, %get3A_573 : vector<16xf32>
        %add3A_575 = arith.constant 5 : i32
        %add3A_576 = arith.addi %mul3A_377, %add3A_575 : i32
        %get3A_577 = arith.constant 0 : i32
        %get3A_578 = arith.index_cast %get3A_577 : i32 to index
        %get3A_579 = arith.index_cast %add3A_576 : i32 to index
        %get3A_580 = arith.constant 32 : index
        %get3A_581 = tpu.vector_load %arg6[%get3A_578, %get3A_579, %get3A_580] {strides = array<i32>} : memref<4x200x64xf32, #tpu.memory_space<vmem>>, vector<1x1x16xf32>,
        %get3A_582 = vector.shape_cast %get3A_581 : vector<1x1x16xf32> to vector<16xf32>
        %add3A_583 = arith.addf %add3A_511, %get3A_582 : vector<16xf32>
        %add3A_584 = arith.constant 5 : i32
        %add3A_585 = arith.addi %mul3A_377, %add3A_584 : i32
        %get3A_586 = arith.constant 0 : i32
        %get3A_587 = arith.index_cast %get3A_586 : i32 to index
        %get3A_588 = arith.index_cast %add3A_585 : i32 to index
        %get3A_589 = arith.constant 48 : index
        %get3A_590 = tpu.vector_load %arg6[%get3A_587, %get3A_588, %get3A_589] {strides = array<i32>} : memref<4x200x64xf32, #tpu.memory_space<vmem>>, vector<1x1x16xf32>,
        %get3A_591 = vector.shape_cast %get3A_590 : vector<1x1x16xf32> to vector<16xf32>
        %add3A_592 = arith.addf %add3A_520, %get3A_591 : vector<16xf32>
        %add3A_593 = arith.constant 6 : i32
        %add3A_594 = arith.addi %mul3A_377, %add3A_593 : i32
        %get3A_595 = arith.constant 0 : i32
        %get3A_596 = arith.index_cast %get3A_595 : i32 to index
        %get3A_597 = arith.index_cast %add3A_594 : i32 to index
        %get3A_598 = arith.constant 0 : index
        %get3A_599 = tpu.vector_load %arg6[%get3A_596, %get3A_597, %get3A_598] {strides = array<i32>} : memref<4x200x64xf32, #tpu.memory_space<vmem>>, vector<1x1x16xf32>,
        %get3A_600 = vector.shape_cast %get3A_599 : vector<1x1x16xf32> to vector<16xf32>
        %add3A_601 = arith.addf %add3A_529, %get3A_600 : vector<16xf32>
        %add3A_602 = arith.constant 6 : i32
        %add3A_603 = arith.addi %mul3A_377, %add3A_602 : i32
        %get3A_604 = arith.constant 0 : i32
        %get3A_605 = arith.index_cast %get3A_604 : i32 to index
        %get3A_606 = arith.index_cast %add3A_603 : i32 to index
        %get3A_607 = arith.constant 16 : index
        %get3A_608 = tpu.vector_load %arg6[%get3A_605, %get3A_606, %get3A_607] {strides = array<i32>} : memref<4x200x64xf32, #tpu.memory_space<vmem>>, vector<1x1x16xf32>,
        %get3A_609 = vector.shape_cast %get3A_608 : vector<1x1x16xf32> to vector<16xf32>
        %add3A_610 = arith.addf %add3A_538, %get3A_609 : vector<16xf32>
        %add3A_611 = arith.constant 6 : i32
        %add3A_612 = arith.addi %mul3A_377, %add3A_611 : i32
        %get3A_613 = arith.constant 0 : i32
        %get3A_614 = arith.index_cast %get3A_613 : i32 to index
        %get3A_615 = arith.index_cast %add3A_612 : i32 to index
        %get3A_616 = arith.constant 32 : index
        %get3A_617 = tpu.vector_load %arg6[%get3A_614, %get3A_615, %get3A_616] {strides = array<i32>} : memref<4x200x64xf32, #tpu.memory_space<vmem>>, vector<1x1x16xf32>,
        %get3A_618 = vector.shape_cast %get3A_617 : vector<1x1x16xf32> to vector<16xf32>
        %add3A_619 = arith.addf %add3A_547, %get3A_618 : vector<16xf32>
        %add3A_620 = arith.constant 6 : i32
        %add3A_621 = arith.addi %mul3A_377, %add3A_620 : i32
        %get3A_622 = arith.constant 0 : i32
        %get3A_623 = arith.index_cast %get3A_622 : i32 to index
        %get3A_624 = arith.index_cast %add3A_621 : i32 to index
        %get3A_625 = arith.constant 48 : index
        %get3A_626 = tpu.vector_load %arg6[%get3A_623, %get3A_624, %get3A_625] {strides = array<i32>} : memref<4x200x64xf32, #tpu.memory_space<vmem>>, vector<1x1x16xf32>,
        %get3A_627 = vector.shape_cast %get3A_626 : vector<1x1x16xf32> to vector<16xf32>
        %add3A_628 = arith.addf %add3A_556, %get3A_627 : vector<16xf32>
        %add3A_629 = arith.constant 7 : i32
        %add3A_630 = arith.addi %mul3A_377, %add3A_629 : i32
        %get3A_631 = arith.constant 0 : i32
        %get3A_632 = arith.index_cast %get3A_631 : i32 to index
        %get3A_633 = arith.index_cast %add3A_630 : i32 to index
        %get3A_634 = arith.constant 0 : index
        %get3A_635 = tpu.vector_load %arg6[%get3A_632, %get3A_633, %get3A_634] {strides = array<i32>} : memref<4x200x64xf32, #tpu.memory_space<vmem>>, vector<1x1x16xf32>,
        %get3A_636 = vector.shape_cast %get3A_635 : vector<1x1x16xf32> to vector<16xf32>
        %add3A_637 = arith.addf %add3A_565, %get3A_636 : vector<16xf32>
        %add3A_638 = arith.constant 7 : i32
        %add3A_639 = arith.addi %mul3A_377, %add3A_638 : i32
        %get3A_640 = arith.constant 0 : i32
        %get3A_641 = arith.index_cast %get3A_640 : i32 to index
        %get3A_642 = arith.index_cast %add3A_639 : i32 to index
        %get3A_643 = arith.constant 16 : index
        %get3A_644 = tpu.vector_load %arg6[%get3A_641, %get3A_642, %get3A_643] {strides = array<i32>} : memref<4x200x64xf32, #tpu.memory_space<vmem>>, vector<1x1x16xf32>,
        %get3A_645 = vector.shape_cast %get3A_644 : vector<1x1x16xf32> to vector<16xf32>
        %add3A_646 = arith.addf %add3A_574, %get3A_645 : vector<16xf32>
        %add3A_647 = arith.constant 7 : i32
        %add3A_648 = arith.addi %mul3A_377, %add3A_647 : i32
        %get3A_649 = arith.constant 0 : i32
        %get3A_650 = arith.index_cast %get3A_649 : i32 to index
        %get3A_651 = arith.index_cast %add3A_648 : i32 to index
        %get3A_652 = arith.constant 32 : index
        %get3A_653 = tpu.vector_load %arg6[%get3A_650, %get3A_651, %get3A_652] {strides = array<i32>} : memref<4x200x64xf32, #tpu.memory_space<vmem>>, vector<1x1x16xf32>,
        %get3A_654 = vector.shape_cast %get3A_653 : vector<1x1x16xf32> to vector<16xf32>
        %add3A_655 = arith.addf %add3A_583, %get3A_654 : vector<16xf32>
        %add3A_656 = arith.constant 7 : i32
        %add3A_657 = arith.addi %mul3A_377, %add3A_656 : i32
        %get3A_658 = arith.constant 0 : i32
        %get3A_659 = arith.index_cast %get3A_658 : i32 to index
        %get3A_660 = arith.index_cast %add3A_657 : i32 to index
        %get3A_661 = arith.constant 48 : index
        %get3A_662 = tpu.vector_load %arg6[%get3A_659, %get3A_660, %get3A_661] {strides = array<i32>} : memref<4x200x64xf32, #tpu.memory_space<vmem>>, vector<1x1x16xf32>,
        %get3A_663 = vector.shape_cast %get3A_662 : vector<1x1x16xf32> to vector<16xf32>
        %add3A_664 = arith.addf %add3A_592, %get3A_663 : vector<16xf32>
        scf.yield %add3A_601, %add3A_610, %add3A_619, %add3A_628, %add3A_637, %add3A_646, %add3A_655, %add3A_664 : vector<16xf32>, vector<16xf32>, vector<16xf32>, vector<16xf32>, vector<16xf32>, vector<16xf32>, vector<16xf32>, vector<16xf32>
      }
      %scan3A_144 = arith.constant 25 : i32
      %add3A_145 = arith.addf %scan3A_143#0, %scan3A_143#4 : vector<16xf32>
      %swap3A = arith.index_cast %add3A_113 : i32 to index
      %swap3A_146 = arith.constant 0 : index
      %swap3A_147 = tpu.vector_load %arg7[%swap3A, %swap3A_146] {strides = array<i32>} : memref<128x64xf32, #tpu.memory_space<vmem>>, vector<1x16xf32>,
      %swap3A_148 = vector.shape_cast %swap3A_147 : vector<1x16xf32> to vector<16xf32>
      %swap3A_149 = vector.shape_cast %add3A_145 : vector<16xf32> to vector<1x16xf32>
      tpu.vector_store %arg7[%swap3A, %swap3A_146], %swap3A_149 {strides = array<i32>} : memref<128x64xf32, #tpu.memory_space<vmem>>, vector<1x16xf32>,
      %add3A_150 = arith.addf %scan3A_143#1, %scan3A_143#5 : vector<16xf32>
      %swap3A_151 = arith.index_cast %add3A_113 : i32 to index
      %swap3A_152 = arith.constant 16 : index
      %swap3A_153 = tpu.vector_load %arg7[%swap3A_151, %swap3A_152] {strides = array<i32>} : memref<128x64xf32, #tpu.memory_space<vmem>>, vector<1x16xf32>,
      %swap3A_154 = vector.shape_cast %swap3A_153 : vector<1x16xf32> to vector<16xf32>
      %swap3A_155 = vector.shape_cast %add3A_150 : vector<16xf32> to vector<1x16xf32>
      tpu.vector_store %arg7[%swap3A_151, %swap3A_152], %swap3A_155 {strides = array<i32>} : memref<128x64xf32, #tpu.memory_space<vmem>>, vector<1x16xf32>,
      %add3A_156 = arith.addf %scan3A_143#2, %scan3A_143#6 : vector<16xf32>
      %swap3A_157 = arith.index_cast %add3A_113 : i32 to index
      %swap3A_158 = arith.constant 32 : index
      %swap3A_159 = tpu.vector_load %arg7[%swap3A_157, %swap3A_158] {strides = array<i32>} : memref<128x64xf32, #tpu.memory_space<vmem>>, vector<1x16xf32>,
      %swap3A_160 = vector.shape_cast %swap3A_159 : vector<1x16xf32> to vector<16xf32>
      %swap3A_161 = vector.shape_cast %add3A_156 : vector<16xf32> to vector<1x16xf32>
      tpu.vector_store %arg7[%swap3A_157, %swap3A_158], %swap3A_161 {strides = array<i32>} : memref<128x64xf32, #tpu.memory_space<vmem>>, vector<1x16xf32>,
      %add3A_162 = arith.addf %scan3A_143#3, %scan3A_143#7 : vector<16xf32>
      %swap3A_163 = arith.index_cast %add3A_113 : i32 to index
      %swap3A_164 = arith.constant 48 : index
      %swap3A_165 = tpu.vector_load %arg7[%swap3A_163, %swap3A_164] {strides = array<i32>} : memref<128x64xf32, #tpu.memory_space<vmem>>, vector<1x16xf32>,
      %swap3A_166 = vector.shape_cast %swap3A_165 : vector<1x16xf32> to vector<16xf32>
      %swap3A_167 = vector.shape_cast %add3A_162 : vector<16xf32> to vector<1x16xf32>
      tpu.vector_store %arg7[%swap3A_163, %swap3A_164], %swap3A_167 {strides = array<i32>} : memref<128x64xf32, #tpu.memory_space<vmem>>, vector<1x16xf32>,
      %add3A_168 = arith.constant 4 : i32
      %add3A_169 = arith.addi %add3A_113, %add3A_168 : i32
      %lt3A = arith.constant 128 : i32
      %lt3A_170 = arith.cmpi slt, %add3A_169, %lt3A : i32
      %convert_element_type3A = arith.extui %lt3A_170 : i1 to i32
      %cond3A = arith.constant 0 : i32
      %cond3A_171 = arith.cmpi ne, %convert_element_type3A, %cond3A : i32
      scf.if %cond3A_171 {
        %add3A_367 = arith.constant 4 : i32
        %add3A_368 = arith.addi %add3A_113, %add3A_367 : i32
        %dma_start3A_369 = arith.constant 0 : i32
        %dma_start3A_370 = arith.constant 0 : i32
        %dma_start3A_371 = arith.constant 0 : i32
        %dma_start3A_372 = arith.constant 0 : i32
        %dma_start3A_373 = tpu.memref_slice %arg6[%dma_start3A_370, %dma_start3A_371, %dma_start3A_372] : memref<4x200x64xf32, #tpu.memory_space<vmem>> -> memref<1x100x64xf32, #tpu.memory_space<vmem>>
        %dma_start3A_374 = tpu.memref_squeeze %dma_start3A_373 : memref<1x100x64xf32, #tpu.memory_space<vmem>> -> memref<100x64xf32, #tpu.memory_space<vmem>>
        %dma_start3A_375 = arith.constant 0 : i32
        %dma_start3A_376 = tpu.memref_slice %arg5[%add3A_368, %dma_start3A_369, %dma_start3A_375] : memref<128x2x100xi32, #tpu.memory_space<vmem>> -> memref<1x1x100xi32, #tpu.memory_space<vmem>>
        %dma_start3A_377 = tpu.memref_squeeze %dma_start3A_376 : memref<1x1x100xi32, #tpu.memory_space<vmem>> -> memref<100xi32, #tpu.memory_space<vmem>>
        %dma_start3A_378 = arith.constant 0 : i32
        %dma_start3A_379 = arith.constant 0 : i32
        %dma_start3A_380 = tpu.memref_slice %arg3[%dma_start3A_378, %dma_start3A_379] : memref<1000000x64xf32, #tpu.memory_space<hbm>> -> memref<1000000x64xf32, #tpu.memory_space<hbm>>
        tpu.enqueue_indirect_dma source(%dma_start3A_380 : memref<1000000x64xf32, #tpu.memory_space<hbm>>) target(%dma_start3A_374 : memref<100x64xf32, #tpu.memory_space<vmem>>) offsets(%dma_start3A_377 : memref<100xi32, #tpu.memory_space<vmem>>) semaphore(%arg8 : memref<!tpu.dma_semaphore, #tpu.memory_space<semaphore_mem>>)
        %dma_start3A_381 = arith.constant 1 : i32
        %dma_start3A_382 = arith.constant 0 : i32
        %dma_start3A_383 = arith.constant 100 : i32
        %dma_start3A_384 = arith.constant 0 : i32
        %dma_start3A_385 = tpu.memref_slice %arg6[%dma_start3A_382, %dma_start3A_383, %dma_start3A_384] : memref<4x200x64xf32, #tpu.memory_space<vmem>> -> memref<1x100x64xf32, #tpu.memory_space<vmem>>
        %dma_start3A_386 = tpu.memref_squeeze %dma_start3A_385 : memref<1x100x64xf32, #tpu.memory_space<vmem>> -> memref<100x64xf32, #tpu.memory_space<vmem>>
        %dma_start3A_387 = arith.constant 0 : i32
        %dma_start3A_388 = tpu.memref_slice %arg5[%add3A_368, %dma_start3A_381, %dma_start3A_387] : memref<128x2x100xi32, #tpu.memory_space<vmem>> -> memref<1x1x100xi32, #tpu.memory_space<vmem>>
        %dma_start3A_389 = tpu.memref_squeeze %dma_start3A_388 : memref<1x1x100xi32, #tpu.memory_space<vmem>> -> memref<100xi32, #tpu.memory_space<vmem>>
        %dma_start3A_390 = arith.constant 0 : i32
        %dma_start3A_391 = arith.constant 0 : i32
        %dma_start3A_392 = tpu.memref_slice %arg3[%dma_start3A_390, %dma_start3A_391] : memref<1000000x64xf32, #tpu.memory_space<hbm>> -> memref<1000000x64xf32, #tpu.memory_space<hbm>>
        tpu.enqueue_indirect_dma source(%dma_start3A_392 : memref<1000000x64xf32, #tpu.memory_space<hbm>>) target(%dma_start3A_386 : memref<100x64xf32, #tpu.memory_space<vmem>>) offsets(%dma_start3A_389 : memref<100xi32, #tpu.memory_space<vmem>>) semaphore(%arg8 : memref<!tpu.dma_semaphore, #tpu.memory_space<semaphore_mem>>)
      } else {
      }
      %add3A_172 = arith.constant 1 : i32
      %add3A_173 = arith.addi %mul3A_111, %add3A_172 : i32
      %dma_wait3A_174 = arith.constant 0 : i32
      %dma_wait3A_175 = arith.constant 0 : i32
      %dma_wait3A_176 = arith.constant 1 : i32
      %dma_wait3A_177 = arith.constant 0 : i32
      %dma_wait3A_178 = arith.constant 0 : i32
      %dma_wait3A_179 = tpu.memref_slice %arg6[%dma_wait3A_176, %dma_wait3A_177, %dma_wait3A_178] : memref<4x200x64xf32, #tpu.memory_space<vmem>> -> memref<1x100x64xf32, #tpu.memory_space<vmem>>
      %dma_wait3A_180 = tpu.memref_squeeze %dma_wait3A_179 : memref<1x100x64xf32, #tpu.memory_space<vmem>> -> memref<100x64xf32, #tpu.memory_space<vmem>>
      %dma_wait3A_181 = arith.constant 0 : i32
      %dma_wait3A_182 = tpu.memref_slice %arg5[%dma_wait3A_174, %dma_wait3A_175, %dma_wait3A_181] : memref<128x2x100xi32, #tpu.memory_space<vmem>> -> memref<1x1x100xi32, #tpu.memory_space<vmem>>
      %dma_wait3A_183 = tpu.memref_squeeze %dma_wait3A_182 : memref<1x1x100xi32, #tpu.memory_space<vmem>> -> memref<100xi32, #tpu.memory_space<vmem>>
      %dma_wait3A_184 = arith.constant 0 : i32
      %dma_wait3A_185 = arith.constant 0 : i32
      %dma_wait3A_186 = tpu.memref_slice %arg3[%dma_wait3A_184, %dma_wait3A_185] : memref<1000000x64xf32, #tpu.memory_space<hbm>> -> memref<1000000x64xf32, #tpu.memory_space<hbm>>
      tpu.wait_indirect_dma semaphore(%arg9 : memref<!tpu.dma_semaphore, #tpu.memory_space<semaphore_mem>>) src(%dma_wait3A_186 : memref<1000000x64xf32, #tpu.memory_space<hbm>>) dst(%dma_wait3A_180 : memref<100x64xf32, #tpu.memory_space<vmem>>)
      %dma_wait3A_187 = arith.constant 0 : i32
      %dma_wait3A_188 = arith.constant 1 : i32
      %dma_wait3A_189 = arith.constant 1 : i32
      %dma_wait3A_190 = arith.constant 100 : i32
      %dma_wait3A_191 = arith.constant 0 : i32
      %dma_wait3A_192 = tpu.memref_slice %arg6[%dma_wait3A_189, %dma_wait3A_190, %dma_wait3A_191] : memref<4x200x64xf32, #tpu.memory_space<vmem>> -> memref<1x100x64xf32, #tpu.memory_space<vmem>>
      %dma_wait3A_193 = tpu.memref_squeeze %dma_wait3A_192 : memref<1x100x64xf32, #tpu.memory_space<vmem>> -> memref<100x64xf32, #tpu.memory_space<vmem>>
      %dma_wait3A_194 = arith.constant 0 : i32
      %dma_wait3A_195 = tpu.memref_slice %arg5[%dma_wait3A_187, %dma_wait3A_188, %dma_wait3A_194] : memref<128x2x100xi32, #tpu.memory_space<vmem>> -> memref<1x1x100xi32, #tpu.memory_space<vmem>>
      %dma_wait3A_196 = tpu.memref_squeeze %dma_wait3A_195 : memref<1x1x100xi32, #tpu.memory_space<vmem>> -> memref<100xi32, #tpu.memory_space<vmem>>
      %dma_wait3A_197 = arith.constant 0 : i32
      %dma_wait3A_198 = arith.constant 0 : i32
      %dma_wait3A_199 = tpu.memref_slice %arg3[%dma_wait3A_197, %dma_wait3A_198] : memref<1000000x64xf32, #tpu.memory_space<hbm>> -> memref<1000000x64xf32, #tpu.memory_space<hbm>>
      tpu.wait_indirect_dma semaphore(%arg9 : memref<!tpu.dma_semaphore, #tpu.memory_space<semaphore_mem>>) src(%dma_wait3A_199 : memref<1000000x64xf32, #tpu.memory_space<hbm>>) dst(%dma_wait3A_193 : memref<100x64xf32, #tpu.memory_space<vmem>>)
      %scan3A_200 = arith.constant 0 : i32
      %scan3A_201 = arith.constant 25 : i32
      %scan3A_202 = arith.addi %scan3A_200, %scan3A_201 : i32
      %scan3A_203 = arith.constant 1 : i32
      %scan3A_204:8 = scf.for %scan3A_367 = %scan3A_200 to %scan3A_202 step %scan3A_203 iter_args(%scan3A_368 = %broadcast_in_dim3A_104, %scan3A_369 = %broadcast_in_dim3A_104, %scan3A_370 = %broadcast_in_dim3A_104, %scan3A_371 = %broadcast_in_dim3A_104, %scan3A_372 = %broadcast_in_dim3A_104, %scan3A_373 = %broadcast_in_dim3A_104, %scan3A_374 = %broadcast_in_dim3A_104, %scan3A_375 = %broadcast_in_dim3A_104) -> (vector<16xf32>, vector<16xf32>, vector<16xf32>, vector<16xf32>, vector<16xf32>, vector<16xf32>, vector<16xf32>, vector<16xf32>)  : i32 {
        %mul3A_376 = arith.constant 8 : i32
        %mul3A_377 = arith.muli %scan3A_367, %mul3A_376 : i32
        %add3A_378 = arith.constant 0 : i32
        %add3A_379 = arith.addi %mul3A_377, %add3A_378 : i32
        %get3A = arith.constant 1 : i32
        %get3A_380 = arith.index_cast %get3A : i32 to index
        %get3A_381 = arith.index_cast %add3A_379 : i32 to index
        %get3A_382 = arith.constant 0 : index
        %get3A_383 = tpu.vector_load %arg6[%get3A_380, %get3A_381, %get3A_382] {strides = array<i32>} : memref<4x200x64xf32, #tpu.memory_space<vmem>>, vector<1x1x16xf32>,
        %get3A_384 = vector.shape_cast %get3A_383 : vector<1x1x16xf32> to vector<16xf32>
        %add3A_385 = arith.addf %scan3A_368, %get3A_384 : vector<16xf32>
        %add3A_386 = arith.constant 0 : i32
        %add3A_387 = arith.addi %mul3A_377, %add3A_386 : i32
        %get3A_388 = arith.constant 1 : i32
        %get3A_389 = arith.index_cast %get3A_388 : i32 to index
        %get3A_390 = arith.index_cast %add3A_387 : i32 to index
        %get3A_391 = arith.constant 16 : index
        %get3A_392 = tpu.vector_load %arg6[%get3A_389, %get3A_390, %get3A_391] {strides = array<i32>} : memref<4x200x64xf32, #tpu.memory_space<vmem>>, vector<1x1x16xf32>,
        %get3A_393 = vector.shape_cast %get3A_392 : vector<1x1x16xf32> to vector<16xf32>
        %add3A_394 = arith.addf %scan3A_369, %get3A_393 : vector<16xf32>
        %add3A_395 = arith.constant 0 : i32
        %add3A_396 = arith.addi %mul3A_377, %add3A_395 : i32
        %get3A_397 = arith.constant 1 : i32
        %get3A_398 = arith.index_cast %get3A_397 : i32 to index
        %get3A_399 = arith.index_cast %add3A_396 : i32 to index
        %get3A_400 = arith.constant 32 : index
        %get3A_401 = tpu.vector_load %arg6[%get3A_398, %get3A_399, %get3A_400] {strides = array<i32>} : memref<4x200x64xf32, #tpu.memory_space<vmem>>, vector<1x1x16xf32>,
        %get3A_402 = vector.shape_cast %get3A_401 : vector<1x1x16xf32> to vector<16xf32>
        %add3A_403 = arith.addf %scan3A_370, %get3A_402 : vector<16xf32>
        %add3A_404 = arith.constant 0 : i32
        %add3A_405 = arith.addi %mul3A_377, %add3A_404 : i32
        %get3A_406 = arith.constant 1 : i32
        %get3A_407 = arith.index_cast %get3A_406 : i32 to index
        %get3A_408 = arith.index_cast %add3A_405 : i32 to index
        %get3A_409 = arith.constant 48 : index
        %get3A_410 = tpu.vector_load %arg6[%get3A_407, %get3A_408, %get3A_409] {strides = array<i32>} : memref<4x200x64xf32, #tpu.memory_space<vmem>>, vector<1x1x16xf32>,
        %get3A_411 = vector.shape_cast %get3A_410 : vector<1x1x16xf32> to vector<16xf32>
        %add3A_412 = arith.addf %scan3A_371, %get3A_411 : vector<16xf32>
        %add3A_413 = arith.constant 1 : i32
        %add3A_414 = arith.addi %mul3A_377, %add3A_413 : i32
        %get3A_415 = arith.constant 1 : i32
        %get3A_416 = arith.index_cast %get3A_415 : i32 to index
        %get3A_417 = arith.index_cast %add3A_414 : i32 to index
        %get3A_418 = arith.constant 0 : index
        %get3A_419 = tpu.vector_load %arg6[%get3A_416, %get3A_417, %get3A_418] {strides = array<i32>} : memref<4x200x64xf32, #tpu.memory_space<vmem>>, vector<1x1x16xf32>,
        %get3A_420 = vector.shape_cast %get3A_419 : vector<1x1x16xf32> to vector<16xf32>
        %add3A_421 = arith.addf %scan3A_372, %get3A_420 : vector<16xf32>
        %add3A_422 = arith.constant 1 : i32
        %add3A_423 = arith.addi %mul3A_377, %add3A_422 : i32
        %get3A_424 = arith.constant 1 : i32
        %get3A_425 = arith.index_cast %get3A_424 : i32 to index
        %get3A_426 = arith.index_cast %add3A_423 : i32 to index
        %get3A_427 = arith.constant 16 : index
        %get3A_428 = tpu.vector_load %arg6[%get3A_425, %get3A_426, %get3A_427] {strides = array<i32>} : memref<4x200x64xf32, #tpu.memory_space<vmem>>, vector<1x1x16xf32>,
        %get3A_429 = vector.shape_cast %get3A_428 : vector<1x1x16xf32> to vector<16xf32>
        %add3A_430 = arith.addf %scan3A_373, %get3A_429 : vector<16xf32>
        %add3A_431 = arith.constant 1 : i32
        %add3A_432 = arith.addi %mul3A_377, %add3A_431 : i32
        %get3A_433 = arith.constant 1 : i32
        %get3A_434 = arith.index_cast %get3A_433 : i32 to index
        %get3A_435 = arith.index_cast %add3A_432 : i32 to index
        %get3A_436 = arith.constant 32 : index
        %get3A_437 = tpu.vector_load %arg6[%get3A_434, %get3A_435, %get3A_436] {strides = array<i32>} : memref<4x200x64xf32, #tpu.memory_space<vmem>>, vector<1x1x16xf32>,
        %get3A_438 = vector.shape_cast %get3A_437 : vector<1x1x16xf32> to vector<16xf32>
        %add3A_439 = arith.addf %scan3A_374, %get3A_438 : vector<16xf32>
        %add3A_440 = arith.constant 1 : i32
        %add3A_441 = arith.addi %mul3A_377, %add3A_440 : i32
        %get3A_442 = arith.constant 1 : i32
        %get3A_443 = arith.index_cast %get3A_442 : i32 to index
        %get3A_444 = arith.index_cast %add3A_441 : i32 to index
        %get3A_445 = arith.constant 48 : index
        %get3A_446 = tpu.vector_load %arg6[%get3A_443, %get3A_444, %get3A_445] {strides = array<i32>} : memref<4x200x64xf32, #tpu.memory_space<vmem>>, vector<1x1x16xf32>,
        %get3A_447 = vector.shape_cast %get3A_446 : vector<1x1x16xf32> to vector<16xf32>
        %add3A_448 = arith.addf %scan3A_375, %get3A_447 : vector<16xf32>
        %add3A_449 = arith.constant 2 : i32
        %add3A_450 = arith.addi %mul3A_377, %add3A_449 : i32
        %get3A_451 = arith.constant 1 : i32
        %get3A_452 = arith.index_cast %get3A_451 : i32 to index
        %get3A_453 = arith.index_cast %add3A_450 : i32 to index
        %get3A_454 = arith.constant 0 : index
        %get3A_455 = tpu.vector_load %arg6[%get3A_452, %get3A_453, %get3A_454] {strides = array<i32>} : memref<4x200x64xf32, #tpu.memory_space<vmem>>, vector<1x1x16xf32>,
        %get3A_456 = vector.shape_cast %get3A_455 : vector<1x1x16xf32> to vector<16xf32>
        %add3A_457 = arith.addf %add3A_385, %get3A_456 : vector<16xf32>
        %add3A_458 = arith.constant 2 : i32
        %add3A_459 = arith.addi %mul3A_377, %add3A_458 : i32
        %get3A_460 = arith.constant 1 : i32
        %get3A_461 = arith.index_cast %get3A_460 : i32 to index
        %get3A_462 = arith.index_cast %add3A_459 : i32 to index
        %get3A_463 = arith.constant 16 : index
        %get3A_464 = tpu.vector_load %arg6[%get3A_461, %get3A_462, %get3A_463] {strides = array<i32>} : memref<4x200x64xf32, #tpu.memory_space<vmem>>, vector<1x1x16xf32>,
        %get3A_465 = vector.shape_cast %get3A_464 : vector<1x1x16xf32> to vector<16xf32>
        %add3A_466 = arith.addf %add3A_394, %get3A_465 : vector<16xf32>
        %add3A_467 = arith.constant 2 : i32
        %add3A_468 = arith.addi %mul3A_377, %add3A_467 : i32
        %get3A_469 = arith.constant 1 : i32
        %get3A_470 = arith.index_cast %get3A_469 : i32 to index
        %get3A_471 = arith.index_cast %add3A_468 : i32 to index
        %get3A_472 = arith.constant 32 : index
        %get3A_473 = tpu.vector_load %arg6[%get3A_470, %get3A_471, %get3A_472] {strides = array<i32>} : memref<4x200x64xf32, #tpu.memory_space<vmem>>, vector<1x1x16xf32>,
        %get3A_474 = vector.shape_cast %get3A_473 : vector<1x1x16xf32> to vector<16xf32>
        %add3A_475 = arith.addf %add3A_403, %get3A_474 : vector<16xf32>
        %add3A_476 = arith.constant 2 : i32
        %add3A_477 = arith.addi %mul3A_377, %add3A_476 : i32
        %get3A_478 = arith.constant 1 : i32
        %get3A_479 = arith.index_cast %get3A_478 : i32 to index
        %get3A_480 = arith.index_cast %add3A_477 : i32 to index
        %get3A_481 = arith.constant 48 : index
        %get3A_482 = tpu.vector_load %arg6[%get3A_479, %get3A_480, %get3A_481] {strides = array<i32>} : memref<4x200x64xf32, #tpu.memory_space<vmem>>, vector<1x1x16xf32>,
        %get3A_483 = vector.shape_cast %get3A_482 : vector<1x1x16xf32> to vector<16xf32>
        %add3A_484 = arith.addf %add3A_412, %get3A_483 : vector<16xf32>
        %add3A_485 = arith.constant 3 : i32
        %add3A_486 = arith.addi %mul3A_377, %add3A_485 : i32
        %get3A_487 = arith.constant 1 : i32
        %get3A_488 = arith.index_cast %get3A_487 : i32 to index
        %get3A_489 = arith.index_cast %add3A_486 : i32 to index
        %get3A_490 = arith.constant 0 : index
        %get3A_491 = tpu.vector_load %arg6[%get3A_488, %get3A_489, %get3A_490] {strides = array<i32>} : memref<4x200x64xf32, #tpu.memory_space<vmem>>, vector<1x1x16xf32>,
        %get3A_492 = vector.shape_cast %get3A_491 : vector<1x1x16xf32> to vector<16xf32>
        %add3A_493 = arith.addf %add3A_421, %get3A_492 : vector<16xf32>
        %add3A_494 = arith.constant 3 : i32
        %add3A_495 = arith.addi %mul3A_377, %add3A_494 : i32
        %get3A_496 = arith.constant 1 : i32
        %get3A_497 = arith.index_cast %get3A_496 : i32 to index
        %get3A_498 = arith.index_cast %add3A_495 : i32 to index
        %get3A_499 = arith.constant 16 : index
        %get3A_500 = tpu.vector_load %arg6[%get3A_497, %get3A_498, %get3A_499] {strides = array<i32>} : memref<4x200x64xf32, #tpu.memory_space<vmem>>, vector<1x1x16xf32>,
        %get3A_501 = vector.shape_cast %get3A_500 : vector<1x1x16xf32> to vector<16xf32>
        %add3A_502 = arith.addf %add3A_430, %get3A_501 : vector<16xf32>
        %add3A_503 = arith.constant 3 : i32
        %add3A_504 = arith.addi %mul3A_377, %add3A_503 : i32
        %get3A_505 = arith.constant 1 : i32
        %get3A_506 = arith.index_cast %get3A_505 : i32 to index
        %get3A_507 = arith.index_cast %add3A_504 : i32 to index
        %get3A_508 = arith.constant 32 : index
        %get3A_509 = tpu.vector_load %arg6[%get3A_506, %get3A_507, %get3A_508] {strides = array<i32>} : memref<4x200x64xf32, #tpu.memory_space<vmem>>, vector<1x1x16xf32>,
        %get3A_510 = vector.shape_cast %get3A_509 : vector<1x1x16xf32> to vector<16xf32>
        %add3A_511 = arith.addf %add3A_439, %get3A_510 : vector<16xf32>
        %add3A_512 = arith.constant 3 : i32
        %add3A_513 = arith.addi %mul3A_377, %add3A_512 : i32
        %get3A_514 = arith.constant 1 : i32
        %get3A_515 = arith.index_cast %get3A_514 : i32 to index
        %get3A_516 = arith.index_cast %add3A_513 : i32 to index
        %get3A_517 = arith.constant 48 : index
        %get3A_518 = tpu.vector_load %arg6[%get3A_515, %get3A_516, %get3A_517] {strides = array<i32>} : memref<4x200x64xf32, #tpu.memory_space<vmem>>, vector<1x1x16xf32>,
        %get3A_519 = vector.shape_cast %get3A_518 : vector<1x1x16xf32> to vector<16xf32>
        %add3A_520 = arith.addf %add3A_448, %get3A_519 : vector<16xf32>
        %add3A_521 = arith.constant 4 : i32
        %add3A_522 = arith.addi %mul3A_377, %add3A_521 : i32
        %get3A_523 = arith.constant 1 : i32
        %get3A_524 = arith.index_cast %get3A_523 : i32 to index
        %get3A_525 = arith.index_cast %add3A_522 : i32 to index
        %get3A_526 = arith.constant 0 : index
        %get3A_527 = tpu.vector_load %arg6[%get3A_524, %get3A_525, %get3A_526] {strides = array<i32>} : memref<4x200x64xf32, #tpu.memory_space<vmem>>, vector<1x1x16xf32>,
        %get3A_528 = vector.shape_cast %get3A_527 : vector<1x1x16xf32> to vector<16xf32>
        %add3A_529 = arith.addf %add3A_457, %get3A_528 : vector<16xf32>
        %add3A_530 = arith.constant 4 : i32
        %add3A_531 = arith.addi %mul3A_377, %add3A_530 : i32
        %get3A_532 = arith.constant 1 : i32
        %get3A_533 = arith.index_cast %get3A_532 : i32 to index
        %get3A_534 = arith.index_cast %add3A_531 : i32 to index
        %get3A_535 = arith.constant 16 : index
        %get3A_536 = tpu.vector_load %arg6[%get3A_533, %get3A_534, %get3A_535] {strides = array<i32>} : memref<4x200x64xf32, #tpu.memory_space<vmem>>, vector<1x1x16xf32>,
        %get3A_537 = vector.shape_cast %get3A_536 : vector<1x1x16xf32> to vector<16xf32>
        %add3A_538 = arith.addf %add3A_466, %get3A_537 : vector<16xf32>
        %add3A_539 = arith.constant 4 : i32
        %add3A_540 = arith.addi %mul3A_377, %add3A_539 : i32
        %get3A_541 = arith.constant 1 : i32
        %get3A_542 = arith.index_cast %get3A_541 : i32 to index
        %get3A_543 = arith.index_cast %add3A_540 : i32 to index
        %get3A_544 = arith.constant 32 : index
        %get3A_545 = tpu.vector_load %arg6[%get3A_542, %get3A_543, %get3A_544] {strides = array<i32>} : memref<4x200x64xf32, #tpu.memory_space<vmem>>, vector<1x1x16xf32>,
        %get3A_546 = vector.shape_cast %get3A_545 : vector<1x1x16xf32> to vector<16xf32>
        %add3A_547 = arith.addf %add3A_475, %get3A_546 : vector<16xf32>
        %add3A_548 = arith.constant 4 : i32
        %add3A_549 = arith.addi %mul3A_377, %add3A_548 : i32
        %get3A_550 = arith.constant 1 : i32
        %get3A_551 = arith.index_cast %get3A_550 : i32 to index
        %get3A_552 = arith.index_cast %add3A_549 : i32 to index
        %get3A_553 = arith.constant 48 : index
        %get3A_554 = tpu.vector_load %arg6[%get3A_551, %get3A_552, %get3A_553] {strides = array<i32>} : memref<4x200x64xf32, #tpu.memory_space<vmem>>, vector<1x1x16xf32>,
        %get3A_555 = vector.shape_cast %get3A_554 : vector<1x1x16xf32> to vector<16xf32>
        %add3A_556 = arith.addf %add3A_484, %get3A_555 : vector<16xf32>
        %add3A_557 = arith.constant 5 : i32
        %add3A_558 = arith.addi %mul3A_377, %add3A_557 : i32
        %get3A_559 = arith.constant 1 : i32
        %get3A_560 = arith.index_cast %get3A_559 : i32 to index
        %get3A_561 = arith.index_cast %add3A_558 : i32 to index
        %get3A_562 = arith.constant 0 : index
        %get3A_563 = tpu.vector_load %arg6[%get3A_560, %get3A_561, %get3A_562] {strides = array<i32>} : memref<4x200x64xf32, #tpu.memory_space<vmem>>, vector<1x1x16xf32>,
        %get3A_564 = vector.shape_cast %get3A_563 : vector<1x1x16xf32> to vector<16xf32>
        %add3A_565 = arith.addf %add3A_493, %get3A_564 : vector<16xf32>
        %add3A_566 = arith.constant 5 : i32
        %add3A_567 = arith.addi %mul3A_377, %add3A_566 : i32
        %get3A_568 = arith.constant 1 : i32
        %get3A_569 = arith.index_cast %get3A_568 : i32 to index
        %get3A_570 = arith.index_cast %add3A_567 : i32 to index
        %get3A_571 = arith.constant 16 : index
        %get3A_572 = tpu.vector_load %arg6[%get3A_569, %get3A_570, %get3A_571] {strides = array<i32>} : memref<4x200x64xf32, #tpu.memory_space<vmem>>, vector<1x1x16xf32>,
        %get3A_573 = vector.shape_cast %get3A_572 : vector<1x1x16xf32> to vector<16xf32>
        %add3A_574 = arith.addf %add3A_502, %get3A_573 : vector<16xf32>
        %add3A_575 = arith.constant 5 : i32
        %add3A_576 = arith.addi %mul3A_377, %add3A_575 : i32
        %get3A_577 = arith.constant 1 : i32
        %get3A_578 = arith.index_cast %get3A_577 : i32 to index
        %get3A_579 = arith.index_cast %add3A_576 : i32 to index
        %get3A_580 = arith.constant 32 : index
        %get3A_581 = tpu.vector_load %arg6[%get3A_578, %get3A_579, %get3A_580] {strides = array<i32>} : memref<4x200x64xf32, #tpu.memory_space<vmem>>, vector<1x1x16xf32>,
        %get3A_582 = vector.shape_cast %get3A_581 : vector<1x1x16xf32> to vector<16xf32>
        %add3A_583 = arith.addf %add3A_511, %get3A_582 : vector<16xf32>
        %add3A_584 = arith.constant 5 : i32
        %add3A_585 = arith.addi %mul3A_377, %add3A_584 : i32
        %get3A_586 = arith.constant 1 : i32
        %get3A_587 = arith.index_cast %get3A_586 : i32 to index
        %get3A_588 = arith.index_cast %add3A_585 : i32 to index
        %get3A_589 = arith.constant 48 : index
        %get3A_590 = tpu.vector_load %arg6[%get3A_587, %get3A_588, %get3A_589] {strides = array<i32>} : memref<4x200x64xf32, #tpu.memory_space<vmem>>, vector<1x1x16xf32>,
        %get3A_591 = vector.shape_cast %get3A_590 : vector<1x1x16xf32> to vector<16xf32>
        %add3A_592 = arith.addf %add3A_520, %get3A_591 : vector<16xf32>
        %add3A_593 = arith.constant 6 : i32
        %add3A_594 = arith.addi %mul3A_377, %add3A_593 : i32
        %get3A_595 = arith.constant 1 : i32
        %get3A_596 = arith.index_cast %get3A_595 : i32 to index
        %get3A_597 = arith.index_cast %add3A_594 : i32 to index
        %get3A_598 = arith.constant 0 : index
        %get3A_599 = tpu.vector_load %arg6[%get3A_596, %get3A_597, %get3A_598] {strides = array<i32>} : memref<4x200x64xf32, #tpu.memory_space<vmem>>, vector<1x1x16xf32>,
        %get3A_600 = vector.shape_cast %get3A_599 : vector<1x1x16xf32> to vector<16xf32>
        %add3A_601 = arith.addf %add3A_529, %get3A_600 : vector<16xf32>
        %add3A_602 = arith.constant 6 : i32
        %add3A_603 = arith.addi %mul3A_377, %add3A_602 : i32
        %get3A_604 = arith.constant 1 : i32
        %get3A_605 = arith.index_cast %get3A_604 : i32 to index
        %get3A_606 = arith.index_cast %add3A_603 : i32 to index
        %get3A_607 = arith.constant 16 : index
        %get3A_608 = tpu.vector_load %arg6[%get3A_605, %get3A_606, %get3A_607] {strides = array<i32>} : memref<4x200x64xf32, #tpu.memory_space<vmem>>, vector<1x1x16xf32>,
        %get3A_609 = vector.shape_cast %get3A_608 : vector<1x1x16xf32> to vector<16xf32>
        %add3A_610 = arith.addf %add3A_538, %get3A_609 : vector<16xf32>
        %add3A_611 = arith.constant 6 : i32
        %add3A_612 = arith.addi %mul3A_377, %add3A_611 : i32
        %get3A_613 = arith.constant 1 : i32
        %get3A_614 = arith.index_cast %get3A_613 : i32 to index
        %get3A_615 = arith.index_cast %add3A_612 : i32 to index
        %get3A_616 = arith.constant 32 : index
        %get3A_617 = tpu.vector_load %arg6[%get3A_614, %get3A_615, %get3A_616] {strides = array<i32>} : memref<4x200x64xf32, #tpu.memory_space<vmem>>, vector<1x1x16xf32>,
        %get3A_618 = vector.shape_cast %get3A_617 : vector<1x1x16xf32> to vector<16xf32>
        %add3A_619 = arith.addf %add3A_547, %get3A_618 : vector<16xf32>
        %add3A_620 = arith.constant 6 : i32
        %add3A_621 = arith.addi %mul3A_377, %add3A_620 : i32
        %get3A_622 = arith.constant 1 : i32
        %get3A_623 = arith.index_cast %get3A_622 : i32 to index
        %get3A_624 = arith.index_cast %add3A_621 : i32 to index
        %get3A_625 = arith.constant 48 : index
        %get3A_626 = tpu.vector_load %arg6[%get3A_623, %get3A_624, %get3A_625] {strides = array<i32>} : memref<4x200x64xf32, #tpu.memory_space<vmem>>, vector<1x1x16xf32>,
        %get3A_627 = vector.shape_cast %get3A_626 : vector<1x1x16xf32> to vector<16xf32>
        %add3A_628 = arith.addf %add3A_556, %get3A_627 : vector<16xf32>
        %add3A_629 = arith.constant 7 : i32
        %add3A_630 = arith.addi %mul3A_377, %add3A_629 : i32
        %get3A_631 = arith.constant 1 : i32
        %get3A_632 = arith.index_cast %get3A_631 : i32 to index
        %get3A_633 = arith.index_cast %add3A_630 : i32 to index
        %get3A_634 = arith.constant 0 : index
        %get3A_635 = tpu.vector_load %arg6[%get3A_632, %get3A_633, %get3A_634] {strides = array<i32>} : memref<4x200x64xf32, #tpu.memory_space<vmem>>, vector<1x1x16xf32>,
        %get3A_636 = vector.shape_cast %get3A_635 : vector<1x1x16xf32> to vector<16xf32>
        %add3A_637 = arith.addf %add3A_565, %get3A_636 : vector<16xf32>
        %add3A_638 = arith.constant 7 : i32
        %add3A_639 = arith.addi %mul3A_377, %add3A_638 : i32
        %get3A_640 = arith.constant 1 : i32
        %get3A_641 = arith.index_cast %get3A_640 : i32 to index
        %get3A_642 = arith.index_cast %add3A_639 : i32 to index
        %get3A_643 = arith.constant 16 : index
        %get3A_644 = tpu.vector_load %arg6[%get3A_641, %get3A_642, %get3A_643] {strides = array<i32>} : memref<4x200x64xf32, #tpu.memory_space<vmem>>, vector<1x1x16xf32>,
        %get3A_645 = vector.shape_cast %get3A_644 : vector<1x1x16xf32> to vector<16xf32>
        %add3A_646 = arith.addf %add3A_574, %get3A_645 : vector<16xf32>
        %add3A_647 = arith.constant 7 : i32
        %add3A_648 = arith.addi %mul3A_377, %add3A_647 : i32
        %get3A_649 = arith.constant 1 : i32
        %get3A_650 = arith.index_cast %get3A_649 : i32 to index
        %get3A_651 = arith.index_cast %add3A_648 : i32 to index
        %get3A_652 = arith.constant 32 : index
        %get3A_653 = tpu.vector_load %arg6[%get3A_650, %get3A_651, %get3A_652] {strides = array<i32>} : memref<4x200x64xf32, #tpu.memory_space<vmem>>, vector<1x1x16xf32>,
        %get3A_654 = vector.shape_cast %get3A_653 : vector<1x1x16xf32> to vector<16xf32>
        %add3A_655 = arith.addf %add3A_583, %get3A_654 : vector<16xf32>
        %add3A_656 = arith.constant 7 : i32
        %add3A_657 = arith.addi %mul3A_377, %add3A_656 : i32
        %get3A_658 = arith.constant 1 : i32
        %get3A_659 = arith.index_cast %get3A_658 : i32 to index
        %get3A_660 = arith.index_cast %add3A_657 : i32 to index
        %get3A_661 = arith.constant 48 : index
        %get3A_662 = tpu.vector_load %arg6[%get3A_659, %get3A_660, %get3A_661] {strides = array<i32>} : memref<4x200x64xf32, #tpu.memory_space<vmem>>, vector<1x1x16xf32>,
        %get3A_663 = vector.shape_cast %get3A_662 : vector<1x1x16xf32> to vector<16xf32>
        %add3A_664 = arith.addf %add3A_592, %get3A_663 : vector<16xf32>
        scf.yield %add3A_601, %add3A_610, %add3A_619, %add3A_628, %add3A_637, %add3A_646, %add3A_655, %add3A_664 : vector<16xf32>, vector<16xf32>, vector<16xf32>, vector<16xf32>, vector<16xf32>, vector<16xf32>, vector<16xf32>, vector<16xf32>
      }
      %scan3A_205 = arith.constant 25 : i32
      %add3A_206 = arith.addf %scan3A_204#0, %scan3A_204#4 : vector<16xf32>
      %swap3A_207 = arith.index_cast %add3A_173 : i32 to index
      %swap3A_208 = arith.constant 0 : index
      %swap3A_209 = tpu.vector_load %arg7[%swap3A_207, %swap3A_208] {strides = array<i32>} : memref<128x64xf32, #tpu.memory_space<vmem>>, vector<1x16xf32>,
      %swap3A_210 = vector.shape_cast %swap3A_209 : vector<1x16xf32> to vector<16xf32>
      %swap3A_211 = vector.shape_cast %add3A_206 : vector<16xf32> to vector<1x16xf32>
      tpu.vector_store %arg7[%swap3A_207, %swap3A_208], %swap3A_211 {strides = array<i32>} : memref<128x64xf32, #tpu.memory_space<vmem>>, vector<1x16xf32>,
      %add3A_212 = arith.addf %scan3A_204#1, %scan3A_204#5 : vector<16xf32>
      %swap3A_213 = arith.index_cast %add3A_173 : i32 to index
      %swap3A_214 = arith.constant 16 : index
      %swap3A_215 = tpu.vector_load %arg7[%swap3A_213, %swap3A_214] {strides = array<i32>} : memref<128x64xf32, #tpu.memory_space<vmem>>, vector<1x16xf32>,
      %swap3A_216 = vector.shape_cast %swap3A_215 : vector<1x16xf32> to vector<16xf32>
      %swap3A_217 = vector.shape_cast %add3A_212 : vector<16xf32> to vector<1x16xf32>
      tpu.vector_store %arg7[%swap3A_213, %swap3A_214], %swap3A_217 {strides = array<i32>} : memref<128x64xf32, #tpu.memory_space<vmem>>, vector<1x16xf32>,
      %add3A_218 = arith.addf %scan3A_204#2, %scan3A_204#6 : vector<16xf32>
      %swap3A_219 = arith.index_cast %add3A_173 : i32 to index
      %swap3A_220 = arith.constant 32 : index
      %swap3A_221 = tpu.vector_load %arg7[%swap3A_219, %swap3A_220] {strides = array<i32>} : memref<128x64xf32, #tpu.memory_space<vmem>>, vector<1x16xf32>,
      %swap3A_222 = vector.shape_cast %swap3A_221 : vector<1x16xf32> to vector<16xf32>
      %swap3A_223 = vector.shape_cast %add3A_218 : vector<16xf32> to vector<1x16xf32>
      tpu.vector_store %arg7[%swap3A_219, %swap3A_220], %swap3A_223 {strides = array<i32>} : memref<128x64xf32, #tpu.memory_space<vmem>>, vector<1x16xf32>,
      %add3A_224 = arith.addf %scan3A_204#3, %scan3A_204#7 : vector<16xf32>
      %swap3A_225 = arith.index_cast %add3A_173 : i32 to index
      %swap3A_226 = arith.constant 48 : index
      %swap3A_227 = tpu.vector_load %arg7[%swap3A_225, %swap3A_226] {strides = array<i32>} : memref<128x64xf32, #tpu.memory_space<vmem>>, vector<1x16xf32>,
      %swap3A_228 = vector.shape_cast %swap3A_227 : vector<1x16xf32> to vector<16xf32>
      %swap3A_229 = vector.shape_cast %add3A_224 : vector<16xf32> to vector<1x16xf32>
      tpu.vector_store %arg7[%swap3A_225, %swap3A_226], %swap3A_229 {strides = array<i32>} : memref<128x64xf32, #tpu.memory_space<vmem>>, vector<1x16xf32>,
      %add3A_230 = arith.constant 4 : i32
      %add3A_231 = arith.addi %add3A_173, %add3A_230 : i32
      %lt3A_232 = arith.constant 128 : i32
      %lt3A_233 = arith.cmpi slt, %add3A_231, %lt3A_232 : i32
      %convert_element_type3A_234 = arith.extui %lt3A_233 : i1 to i32
      %cond3A_235 = arith.constant 0 : i32
      %cond3A_236 = arith.cmpi ne, %convert_element_type3A_234, %cond3A_235 : i32
      scf.if %cond3A_236 {
        %add3A_367 = arith.constant 4 : i32
        %add3A_368 = arith.addi %add3A_173, %add3A_367 : i32
        %dma_start3A_369 = arith.constant 0 : i32
        %dma_start3A_370 = arith.constant 1 : i32
        %dma_start3A_371 = arith.constant 0 : i32
        %dma_start3A_372 = arith.constant 0 : i32
        %dma_start3A_373 = tpu.memref_slice %arg6[%dma_start3A_370, %dma_start3A_371, %dma_start3A_372] : memref<4x200x64xf32, #tpu.memory_space<vmem>> -> memref<1x100x64xf32, #tpu.memory_space<vmem>>
        %dma_start3A_374 = tpu.memref_squeeze %dma_start3A_373 : memref<1x100x64xf32, #tpu.memory_space<vmem>> -> memref<100x64xf32, #tpu.memory_space<vmem>>
        %dma_start3A_375 = arith.constant 0 : i32
        %dma_start3A_376 = tpu.memref_slice %arg5[%add3A_368, %dma_start3A_369, %dma_start3A_375] : memref<128x2x100xi32, #tpu.memory_space<vmem>> -> memref<1x1x100xi32, #tpu.memory_space<vmem>>
        %dma_start3A_377 = tpu.memref_squeeze %dma_start3A_376 : memref<1x1x100xi32, #tpu.memory_space<vmem>> -> memref<100xi32, #tpu.memory_space<vmem>>
        %dma_start3A_378 = arith.constant 0 : i32
        %dma_start3A_379 = arith.constant 0 : i32
        %dma_start3A_380 = tpu.memref_slice %arg3[%dma_start3A_378, %dma_start3A_379] : memref<1000000x64xf32, #tpu.memory_space<hbm>> -> memref<1000000x64xf32, #tpu.memory_space<hbm>>
        tpu.enqueue_indirect_dma source(%dma_start3A_380 : memref<1000000x64xf32, #tpu.memory_space<hbm>>) target(%dma_start3A_374 : memref<100x64xf32, #tpu.memory_space<vmem>>) offsets(%dma_start3A_377 : memref<100xi32, #tpu.memory_space<vmem>>) semaphore(%arg9 : memref<!tpu.dma_semaphore, #tpu.memory_space<semaphore_mem>>)
        %dma_start3A_381 = arith.constant 1 : i32
        %dma_start3A_382 = arith.constant 1 : i32
        %dma_start3A_383 = arith.constant 100 : i32
        %dma_start3A_384 = arith.constant 0 : i32
        %dma_start3A_385 = tpu.memref_slice %arg6[%dma_start3A_382, %dma_start3A_383, %dma_start3A_384] : memref<4x200x64xf32, #tpu.memory_space<vmem>> -> memref<1x100x64xf32, #tpu.memory_space<vmem>>
        %dma_start3A_386 = tpu.memref_squeeze %dma_start3A_385 : memref<1x100x64xf32, #tpu.memory_space<vmem>> -> memref<100x64xf32, #tpu.memory_space<vmem>>
        %dma_start3A_387 = arith.constant 0 : i32
        %dma_start3A_388 = tpu.memref_slice %arg5[%add3A_368, %dma_start3A_381, %dma_start3A_387] : memref<128x2x100xi32, #tpu.memory_space<vmem>> -> memref<1x1x100xi32, #tpu.memory_space<vmem>>
        %dma_start3A_389 = tpu.memref_squeeze %dma_start3A_388 : memref<1x1x100xi32, #tpu.memory_space<vmem>> -> memref<100xi32, #tpu.memory_space<vmem>>
        %dma_start3A_390 = arith.constant 0 : i32
        %dma_start3A_391 = arith.constant 0 : i32
        %dma_start3A_392 = tpu.memref_slice %arg3[%dma_start3A_390, %dma_start3A_391] : memref<1000000x64xf32, #tpu.memory_space<hbm>> -> memref<1000000x64xf32, #tpu.memory_space<hbm>>
        tpu.enqueue_indirect_dma source(%dma_start3A_392 : memref<1000000x64xf32, #tpu.memory_space<hbm>>) target(%dma_start3A_386 : memref<100x64xf32, #tpu.memory_space<vmem>>) offsets(%dma_start3A_389 : memref<100xi32, #tpu.memory_space<vmem>>) semaphore(%arg9 : memref<!tpu.dma_semaphore, #tpu.memory_space<semaphore_mem>>)
      } else {
      }
      %add3A_237 = arith.constant 2 : i32
      %add3A_238 = arith.addi %mul3A_111, %add3A_237 : i32
      %dma_wait3A_239 = arith.constant 0 : i32
      %dma_wait3A_240 = arith.constant 0 : i32
      %dma_wait3A_241 = arith.constant 2 : i32
      %dma_wait3A_242 = arith.constant 0 : i32
      %dma_wait3A_243 = arith.constant 0 : i32
      %dma_wait3A_244 = tpu.memref_slice %arg6[%dma_wait3A_241, %dma_wait3A_242, %dma_wait3A_243] : memref<4x200x64xf32, #tpu.memory_space<vmem>> -> memref<1x100x64xf32, #tpu.memory_space<vmem>>
      %dma_wait3A_245 = tpu.memref_squeeze %dma_wait3A_244 : memref<1x100x64xf32, #tpu.memory_space<vmem>> -> memref<100x64xf32, #tpu.memory_space<vmem>>
      %dma_wait3A_246 = arith.constant 0 : i32
      %dma_wait3A_247 = tpu.memref_slice %arg5[%dma_wait3A_239, %dma_wait3A_240, %dma_wait3A_246] : memref<128x2x100xi32, #tpu.memory_space<vmem>> -> memref<1x1x100xi32, #tpu.memory_space<vmem>>
      %dma_wait3A_248 = tpu.memref_squeeze %dma_wait3A_247 : memref<1x1x100xi32, #tpu.memory_space<vmem>> -> memref<100xi32, #tpu.memory_space<vmem>>
      %dma_wait3A_249 = arith.constant 0 : i32
      %dma_wait3A_250 = arith.constant 0 : i32
      %dma_wait3A_251 = tpu.memref_slice %arg3[%dma_wait3A_249, %dma_wait3A_250] : memref<1000000x64xf32, #tpu.memory_space<hbm>> -> memref<1000000x64xf32, #tpu.memory_space<hbm>>
      tpu.wait_indirect_dma semaphore(%arg10 : memref<!tpu.dma_semaphore, #tpu.memory_space<semaphore_mem>>) src(%dma_wait3A_251 : memref<1000000x64xf32, #tpu.memory_space<hbm>>) dst(%dma_wait3A_245 : memref<100x64xf32, #tpu.memory_space<vmem>>)
      %dma_wait3A_252 = arith.constant 0 : i32
      %dma_wait3A_253 = arith.constant 1 : i32
      %dma_wait3A_254 = arith.constant 2 : i32
      %dma_wait3A_255 = arith.constant 100 : i32
      %dma_wait3A_256 = arith.constant 0 : i32
      %dma_wait3A_257 = tpu.memref_slice %arg6[%dma_wait3A_254, %dma_wait3A_255, %dma_wait3A_256] : memref<4x200x64xf32, #tpu.memory_space<vmem>> -> memref<1x100x64xf32, #tpu.memory_space<vmem>>
      %dma_wait3A_258 = tpu.memref_squeeze %dma_wait3A_257 : memref<1x100x64xf32, #tpu.memory_space<vmem>> -> memref<100x64xf32, #tpu.memory_space<vmem>>
      %dma_wait3A_259 = arith.constant 0 : i32
      %dma_wait3A_260 = tpu.memref_slice %arg5[%dma_wait3A_252, %dma_wait3A_253, %dma_wait3A_259] : memref<128x2x100xi32, #tpu.memory_space<vmem>> -> memref<1x1x100xi32, #tpu.memory_space<vmem>>
      %dma_wait3A_261 = tpu.memref_squeeze %dma_wait3A_260 : memref<1x1x100xi32, #tpu.memory_space<vmem>> -> memref<100xi32, #tpu.memory_space<vmem>>
      %dma_wait3A_262 = arith.constant 0 : i32
      %dma_wait3A_263 = arith.constant 0 : i32
      %dma_wait3A_264 = tpu.memref_slice %arg3[%dma_wait3A_262, %dma_wait3A_263] : memref<1000000x64xf32, #tpu.memory_space<hbm>> -> memref<1000000x64xf32, #tpu.memory_space<hbm>>
      tpu.wait_indirect_dma semaphore(%arg10 : memref<!tpu.dma_semaphore, #tpu.memory_space<semaphore_mem>>) src(%dma_wait3A_264 : memref<1000000x64xf32, #tpu.memory_space<hbm>>) dst(%dma_wait3A_258 : memref<100x64xf32, #tpu.memory_space<vmem>>)
      %scan3A_265 = arith.constant 0 : i32
      %scan3A_266 = arith.constant 25 : i32
      %scan3A_267 = arith.addi %scan3A_265, %scan3A_266 : i32
      %scan3A_268 = arith.constant 1 : i32
      %scan3A_269:8 = scf.for %scan3A_367 = %scan3A_265 to %scan3A_267 step %scan3A_268 iter_args(%scan3A_368 = %broadcast_in_dim3A_104, %scan3A_369 = %broadcast_in_dim3A_104, %scan3A_370 = %broadcast_in_dim3A_104, %scan3A_371 = %broadcast_in_dim3A_104, %scan3A_372 = %broadcast_in_dim3A_104, %scan3A_373 = %broadcast_in_dim3A_104, %scan3A_374 = %broadcast_in_dim3A_104, %scan3A_375 = %broadcast_in_dim3A_104) -> (vector<16xf32>, vector<16xf32>, vector<16xf32>, vector<16xf32>, vector<16xf32>, vector<16xf32>, vector<16xf32>, vector<16xf32>)  : i32 {
        %mul3A_376 = arith.constant 8 : i32
        %mul3A_377 = arith.muli %scan3A_367, %mul3A_376 : i32
        %add3A_378 = arith.constant 0 : i32
        %add3A_379 = arith.addi %mul3A_377, %add3A_378 : i32
        %get3A = arith.constant 2 : i32
        %get3A_380 = arith.index_cast %get3A : i32 to index
        %get3A_381 = arith.index_cast %add3A_379 : i32 to index
        %get3A_382 = arith.constant 0 : index
        %get3A_383 = tpu.vector_load %arg6[%get3A_380, %get3A_381, %get3A_382] {strides = array<i32>} : memref<4x200x64xf32, #tpu.memory_space<vmem>>, vector<1x1x16xf32>,
        %get3A_384 = vector.shape_cast %get3A_383 : vector<1x1x16xf32> to vector<16xf32>
        %add3A_385 = arith.addf %scan3A_368, %get3A_384 : vector<16xf32>
        %add3A_386 = arith.constant 0 : i32
        %add3A_387 = arith.addi %mul3A_377, %add3A_386 : i32
        %get3A_388 = arith.constant 2 : i32
        %get3A_389 = arith.index_cast %get3A_388 : i32 to index
        %get3A_390 = arith.index_cast %add3A_387 : i32 to index
        %get3A_391 = arith.constant 16 : index
        %get3A_392 = tpu.vector_load %arg6[%get3A_389, %get3A_390, %get3A_391] {strides = array<i32>} : memref<4x200x64xf32, #tpu.memory_space<vmem>>, vector<1x1x16xf32>,
        %get3A_393 = vector.shape_cast %get3A_392 : vector<1x1x16xf32> to vector<16xf32>
        %add3A_394 = arith.addf %scan3A_369, %get3A_393 : vector<16xf32>
        %add3A_395 = arith.constant 0 : i32
        %add3A_396 = arith.addi %mul3A_377, %add3A_395 : i32
        %get3A_397 = arith.constant 2 : i32
        %get3A_398 = arith.index_cast %get3A_397 : i32 to index
        %get3A_399 = arith.index_cast %add3A_396 : i32 to index
        %get3A_400 = arith.constant 32 : index
        %get3A_401 = tpu.vector_load %arg6[%get3A_398, %get3A_399, %get3A_400] {strides = array<i32>} : memref<4x200x64xf32, #tpu.memory_space<vmem>>, vector<1x1x16xf32>,
        %get3A_402 = vector.shape_cast %get3A_401 : vector<1x1x16xf32> to vector<16xf32>
        %add3A_403 = arith.addf %scan3A_370, %get3A_402 : vector<16xf32>
        %add3A_404 = arith.constant 0 : i32
        %add3A_405 = arith.addi %mul3A_377, %add3A_404 : i32
        %get3A_406 = arith.constant 2 : i32
        %get3A_407 = arith.index_cast %get3A_406 : i32 to index
        %get3A_408 = arith.index_cast %add3A_405 : i32 to index
        %get3A_409 = arith.constant 48 : index
        %get3A_410 = tpu.vector_load %arg6[%get3A_407, %get3A_408, %get3A_409] {strides = array<i32>} : memref<4x200x64xf32, #tpu.memory_space<vmem>>, vector<1x1x16xf32>,
        %get3A_411 = vector.shape_cast %get3A_410 : vector<1x1x16xf32> to vector<16xf32>
        %add3A_412 = arith.addf %scan3A_371, %get3A_411 : vector<16xf32>
        %add3A_413 = arith.constant 1 : i32
        %add3A_414 = arith.addi %mul3A_377, %add3A_413 : i32
        %get3A_415 = arith.constant 2 : i32
        %get3A_416 = arith.index_cast %get3A_415 : i32 to index
        %get3A_417 = arith.index_cast %add3A_414 : i32 to index
        %get3A_418 = arith.constant 0 : index
        %get3A_419 = tpu.vector_load %arg6[%get3A_416, %get3A_417, %get3A_418] {strides = array<i32>} : memref<4x200x64xf32, #tpu.memory_space<vmem>>, vector<1x1x16xf32>,
        %get3A_420 = vector.shape_cast %get3A_419 : vector<1x1x16xf32> to vector<16xf32>
        %add3A_421 = arith.addf %scan3A_372, %get3A_420 : vector<16xf32>
        %add3A_422 = arith.constant 1 : i32
        %add3A_423 = arith.addi %mul3A_377, %add3A_422 : i32
        %get3A_424 = arith.constant 2 : i32
        %get3A_425 = arith.index_cast %get3A_424 : i32 to index
        %get3A_426 = arith.index_cast %add3A_423 : i32 to index
        %get3A_427 = arith.constant 16 : index
        %get3A_428 = tpu.vector_load %arg6[%get3A_425, %get3A_426, %get3A_427] {strides = array<i32>} : memref<4x200x64xf32, #tpu.memory_space<vmem>>, vector<1x1x16xf32>,
        %get3A_429 = vector.shape_cast %get3A_428 : vector<1x1x16xf32> to vector<16xf32>
        %add3A_430 = arith.addf %scan3A_373, %get3A_429 : vector<16xf32>
        %add3A_431 = arith.constant 1 : i32
        %add3A_432 = arith.addi %mul3A_377, %add3A_431 : i32
        %get3A_433 = arith.constant 2 : i32
        %get3A_434 = arith.index_cast %get3A_433 : i32 to index
        %get3A_435 = arith.index_cast %add3A_432 : i32 to index
        %get3A_436 = arith.constant 32 : index
        %get3A_437 = tpu.vector_load %arg6[%get3A_434, %get3A_435, %get3A_436] {strides = array<i32>} : memref<4x200x64xf32, #tpu.memory_space<vmem>>, vector<1x1x16xf32>,
        %get3A_438 = vector.shape_cast %get3A_437 : vector<1x1x16xf32> to vector<16xf32>
        %add3A_439 = arith.addf %scan3A_374, %get3A_438 : vector<16xf32>
        %add3A_440 = arith.constant 1 : i32
        %add3A_441 = arith.addi %mul3A_377, %add3A_440 : i32
        %get3A_442 = arith.constant 2 : i32
        %get3A_443 = arith.index_cast %get3A_442 : i32 to index
        %get3A_444 = arith.index_cast %add3A_441 : i32 to index
        %get3A_445 = arith.constant 48 : index
        %get3A_446 = tpu.vector_load %arg6[%get3A_443, %get3A_444, %get3A_445] {strides = array<i32>} : memref<4x200x64xf32, #tpu.memory_space<vmem>>, vector<1x1x16xf32>,
        %get3A_447 = vector.shape_cast %get3A_446 : vector<1x1x16xf32> to vector<16xf32>
        %add3A_448 = arith.addf %scan3A_375, %get3A_447 : vector<16xf32>
        %add3A_449 = arith.constant 2 : i32
        %add3A_450 = arith.addi %mul3A_377, %add3A_449 : i32
        %get3A_451 = arith.constant 2 : i32
        %get3A_452 = arith.index_cast %get3A_451 : i32 to index
        %get3A_453 = arith.index_cast %add3A_450 : i32 to index
        %get3A_454 = arith.constant 0 : index
        %get3A_455 = tpu.vector_load %arg6[%get3A_452, %get3A_453, %get3A_454] {strides = array<i32>} : memref<4x200x64xf32, #tpu.memory_space<vmem>>, vector<1x1x16xf32>,
        %get3A_456 = vector.shape_cast %get3A_455 : vector<1x1x16xf32> to vector<16xf32>
        %add3A_457 = arith.addf %add3A_385, %get3A_456 : vector<16xf32>
        %add3A_458 = arith.constant 2 : i32
        %add3A_459 = arith.addi %mul3A_377, %add3A_458 : i32
        %get3A_460 = arith.constant 2 : i32
        %get3A_461 = arith.index_cast %get3A_460 : i32 to index
        %get3A_462 = arith.index_cast %add3A_459 : i32 to index
        %get3A_463 = arith.constant 16 : index
        %get3A_464 = tpu.vector_load %arg6[%get3A_461, %get3A_462, %get3A_463] {strides = array<i32>} : memref<4x200x64xf32, #tpu.memory_space<vmem>>, vector<1x1x16xf32>,
        %get3A_465 = vector.shape_cast %get3A_464 : vector<1x1x16xf32> to vector<16xf32>
        %add3A_466 = arith.addf %add3A_394, %get3A_465 : vector<16xf32>
        %add3A_467 = arith.constant 2 : i32
        %add3A_468 = arith.addi %mul3A_377, %add3A_467 : i32
        %get3A_469 = arith.constant 2 : i32
        %get3A_470 = arith.index_cast %get3A_469 : i32 to index
        %get3A_471 = arith.index_cast %add3A_468 : i32 to index
        %get3A_472 = arith.constant 32 : index
        %get3A_473 = tpu.vector_load %arg6[%get3A_470, %get3A_471, %get3A_472] {strides = array<i32>} : memref<4x200x64xf32, #tpu.memory_space<vmem>>, vector<1x1x16xf32>,
        %get3A_474 = vector.shape_cast %get3A_473 : vector<1x1x16xf32> to vector<16xf32>
        %add3A_475 = arith.addf %add3A_403, %get3A_474 : vector<16xf32>
        %add3A_476 = arith.constant 2 : i32
        %add3A_477 = arith.addi %mul3A_377, %add3A_476 : i32
        %get3A_478 = arith.constant 2 : i32
        %get3A_479 = arith.index_cast %get3A_478 : i32 to index
        %get3A_480 = arith.index_cast %add3A_477 : i32 to index
        %get3A_481 = arith.constant 48 : index
        %get3A_482 = tpu.vector_load %arg6[%get3A_479, %get3A_480, %get3A_481] {strides = array<i32>} : memref<4x200x64xf32, #tpu.memory_space<vmem>>, vector<1x1x16xf32>,
        %get3A_483 = vector.shape_cast %get3A_482 : vector<1x1x16xf32> to vector<16xf32>
        %add3A_484 = arith.addf %add3A_412, %get3A_483 : vector<16xf32>
        %add3A_485 = arith.constant 3 : i32
        %add3A_486 = arith.addi %mul3A_377, %add3A_485 : i32
        %get3A_487 = arith.constant 2 : i32
        %get3A_488 = arith.index_cast %get3A_487 : i32 to index
        %get3A_489 = arith.index_cast %add3A_486 : i32 to index
        %get3A_490 = arith.constant 0 : index
        %get3A_491 = tpu.vector_load %arg6[%get3A_488, %get3A_489, %get3A_490] {strides = array<i32>} : memref<4x200x64xf32, #tpu.memory_space<vmem>>, vector<1x1x16xf32>,
        %get3A_492 = vector.shape_cast %get3A_491 : vector<1x1x16xf32> to vector<16xf32>
        %add3A_493 = arith.addf %add3A_421, %get3A_492 : vector<16xf32>
        %add3A_494 = arith.constant 3 : i32
        %add3A_495 = arith.addi %mul3A_377, %add3A_494 : i32
        %get3A_496 = arith.constant 2 : i32
        %get3A_497 = arith.index_cast %get3A_496 : i32 to index
        %get3A_498 = arith.index_cast %add3A_495 : i32 to index
        %get3A_499 = arith.constant 16 : index
        %get3A_500 = tpu.vector_load %arg6[%get3A_497, %get3A_498, %get3A_499] {strides = array<i32>} : memref<4x200x64xf32, #tpu.memory_space<vmem>>, vector<1x1x16xf32>,
        %get3A_501 = vector.shape_cast %get3A_500 : vector<1x1x16xf32> to vector<16xf32>
        %add3A_502 = arith.addf %add3A_430, %get3A_501 : vector<16xf32>
        %add3A_503 = arith.constant 3 : i32
        %add3A_504 = arith.addi %mul3A_377, %add3A_503 : i32
        %get3A_505 = arith.constant 2 : i32
        %get3A_506 = arith.index_cast %get3A_505 : i32 to index
        %get3A_507 = arith.index_cast %add3A_504 : i32 to index
        %get3A_508 = arith.constant 32 : index
        %get3A_509 = tpu.vector_load %arg6[%get3A_506, %get3A_507, %get3A_508] {strides = array<i32>} : memref<4x200x64xf32, #tpu.memory_space<vmem>>, vector<1x1x16xf32>,
        %get3A_510 = vector.shape_cast %get3A_509 : vector<1x1x16xf32> to vector<16xf32>
        %add3A_511 = arith.addf %add3A_439, %get3A_510 : vector<16xf32>
        %add3A_512 = arith.constant 3 : i32
        %add3A_513 = arith.addi %mul3A_377, %add3A_512 : i32
        %get3A_514 = arith.constant 2 : i32
        %get3A_515 = arith.index_cast %get3A_514 : i32 to index
        %get3A_516 = arith.index_cast %add3A_513 : i32 to index
        %get3A_517 = arith.constant 48 : index
        %get3A_518 = tpu.vector_load %arg6[%get3A_515, %get3A_516, %get3A_517] {strides = array<i32>} : memref<4x200x64xf32, #tpu.memory_space<vmem>>, vector<1x1x16xf32>,
        %get3A_519 = vector.shape_cast %get3A_518 : vector<1x1x16xf32> to vector<16xf32>
        %add3A_520 = arith.addf %add3A_448, %get3A_519 : vector<16xf32>
        %add3A_521 = arith.constant 4 : i32
        %add3A_522 = arith.addi %mul3A_377, %add3A_521 : i32
        %get3A_523 = arith.constant 2 : i32
        %get3A_524 = arith.index_cast %get3A_523 : i32 to index
        %get3A_525 = arith.index_cast %add3A_522 : i32 to index
        %get3A_526 = arith.constant 0 : index
        %get3A_527 = tpu.vector_load %arg6[%get3A_524, %get3A_525, %get3A_526] {strides = array<i32>} : memref<4x200x64xf32, #tpu.memory_space<vmem>>, vector<1x1x16xf32>,
        %get3A_528 = vector.shape_cast %get3A_527 : vector<1x1x16xf32> to vector<16xf32>
        %add3A_529 = arith.addf %add3A_457, %get3A_528 : vector<16xf32>
        %add3A_530 = arith.constant 4 : i32
        %add3A_531 = arith.addi %mul3A_377, %add3A_530 : i32
        %get3A_532 = arith.constant 2 : i32
        %get3A_533 = arith.index_cast %get3A_532 : i32 to index
        %get3A_534 = arith.index_cast %add3A_531 : i32 to index
        %get3A_535 = arith.constant 16 : index
        %get3A_536 = tpu.vector_load %arg6[%get3A_533, %get3A_534, %get3A_535] {strides = array<i32>} : memref<4x200x64xf32, #tpu.memory_space<vmem>>, vector<1x1x16xf32>,
        %get3A_537 = vector.shape_cast %get3A_536 : vector<1x1x16xf32> to vector<16xf32>
        %add3A_538 = arith.addf %add3A_466, %get3A_537 : vector<16xf32>
        %add3A_539 = arith.constant 4 : i32
        %add3A_540 = arith.addi %mul3A_377, %add3A_539 : i32
        %get3A_541 = arith.constant 2 : i32
        %get3A_542 = arith.index_cast %get3A_541 : i32 to index
        %get3A_543 = arith.index_cast %add3A_540 : i32 to index
        %get3A_544 = arith.constant 32 : index
        %get3A_545 = tpu.vector_load %arg6[%get3A_542, %get3A_543, %get3A_544] {strides = array<i32>} : memref<4x200x64xf32, #tpu.memory_space<vmem>>, vector<1x1x16xf32>,
        %get3A_546 = vector.shape_cast %get3A_545 : vector<1x1x16xf32> to vector<16xf32>
        %add3A_547 = arith.addf %add3A_475, %get3A_546 : vector<16xf32>
        %add3A_548 = arith.constant 4 : i32
        %add3A_549 = arith.addi %mul3A_377, %add3A_548 : i32
        %get3A_550 = arith.constant 2 : i32
        %get3A_551 = arith.index_cast %get3A_550 : i32 to index
        %get3A_552 = arith.index_cast %add3A_549 : i32 to index
        %get3A_553 = arith.constant 48 : index
        %get3A_554 = tpu.vector_load %arg6[%get3A_551, %get3A_552, %get3A_553] {strides = array<i32>} : memref<4x200x64xf32, #tpu.memory_space<vmem>>, vector<1x1x16xf32>,
        %get3A_555 = vector.shape_cast %get3A_554 : vector<1x1x16xf32> to vector<16xf32>
        %add3A_556 = arith.addf %add3A_484, %get3A_555 : vector<16xf32>
        %add3A_557 = arith.constant 5 : i32
        %add3A_558 = arith.addi %mul3A_377, %add3A_557 : i32
        %get3A_559 = arith.constant 2 : i32
        %get3A_560 = arith.index_cast %get3A_559 : i32 to index
        %get3A_561 = arith.index_cast %add3A_558 : i32 to index
        %get3A_562 = arith.constant 0 : index
        %get3A_563 = tpu.vector_load %arg6[%get3A_560, %get3A_561, %get3A_562] {strides = array<i32>} : memref<4x200x64xf32, #tpu.memory_space<vmem>>, vector<1x1x16xf32>,
        %get3A_564 = vector.shape_cast %get3A_563 : vector<1x1x16xf32> to vector<16xf32>
        %add3A_565 = arith.addf %add3A_493, %get3A_564 : vector<16xf32>
        %add3A_566 = arith.constant 5 : i32
        %add3A_567 = arith.addi %mul3A_377, %add3A_566 : i32
        %get3A_568 = arith.constant 2 : i32
        %get3A_569 = arith.index_cast %get3A_568 : i32 to index
        %get3A_570 = arith.index_cast %add3A_567 : i32 to index
        %get3A_571 = arith.constant 16 : index
        %get3A_572 = tpu.vector_load %arg6[%get3A_569, %get3A_570, %get3A_571] {strides = array<i32>} : memref<4x200x64xf32, #tpu.memory_space<vmem>>, vector<1x1x16xf32>,
        %get3A_573 = vector.shape_cast %get3A_572 : vector<1x1x16xf32> to vector<16xf32>
        %add3A_574 = arith.addf %add3A_502, %get3A_573 : vector<16xf32>
        %add3A_575 = arith.constant 5 : i32
        %add3A_576 = arith.addi %mul3A_377, %add3A_575 : i32
        %get3A_577 = arith.constant 2 : i32
        %get3A_578 = arith.index_cast %get3A_577 : i32 to index
        %get3A_579 = arith.index_cast %add3A_576 : i32 to index
        %get3A_580 = arith.constant 32 : index
        %get3A_581 = tpu.vector_load %arg6[%get3A_578, %get3A_579, %get3A_580] {strides = array<i32>} : memref<4x200x64xf32, #tpu.memory_space<vmem>>, vector<1x1x16xf32>,
        %get3A_582 = vector.shape_cast %get3A_581 : vector<1x1x16xf32> to vector<16xf32>
        %add3A_583 = arith.addf %add3A_511, %get3A_582 : vector<16xf32>
        %add3A_584 = arith.constant 5 : i32
        %add3A_585 = arith.addi %mul3A_377, %add3A_584 : i32
        %get3A_586 = arith.constant 2 : i32
        %get3A_587 = arith.index_cast %get3A_586 : i32 to index
        %get3A_588 = arith.index_cast %add3A_585 : i32 to index
        %get3A_589 = arith.constant 48 : index
        %get3A_590 = tpu.vector_load %arg6[%get3A_587, %get3A_588, %get3A_589] {strides = array<i32>} : memref<4x200x64xf32, #tpu.memory_space<vmem>>, vector<1x1x16xf32>,
        %get3A_591 = vector.shape_cast %get3A_590 : vector<1x1x16xf32> to vector<16xf32>
        %add3A_592 = arith.addf %add3A_520, %get3A_591 : vector<16xf32>
        %add3A_593 = arith.constant 6 : i32
        %add3A_594 = arith.addi %mul3A_377, %add3A_593 : i32
        %get3A_595 = arith.constant 2 : i32
        %get3A_596 = arith.index_cast %get3A_595 : i32 to index
        %get3A_597 = arith.index_cast %add3A_594 : i32 to index
        %get3A_598 = arith.constant 0 : index
        %get3A_599 = tpu.vector_load %arg6[%get3A_596, %get3A_597, %get3A_598] {strides = array<i32>} : memref<4x200x64xf32, #tpu.memory_space<vmem>>, vector<1x1x16xf32>,
        %get3A_600 = vector.shape_cast %get3A_599 : vector<1x1x16xf32> to vector<16xf32>
        %add3A_601 = arith.addf %add3A_529, %get3A_600 : vector<16xf32>
        %add3A_602 = arith.constant 6 : i32
        %add3A_603 = arith.addi %mul3A_377, %add3A_602 : i32
        %get3A_604 = arith.constant 2 : i32
        %get3A_605 = arith.index_cast %get3A_604 : i32 to index
        %get3A_606 = arith.index_cast %add3A_603 : i32 to index
        %get3A_607 = arith.constant 16 : index
        %get3A_608 = tpu.vector_load %arg6[%get3A_605, %get3A_606, %get3A_607] {strides = array<i32>} : memref<4x200x64xf32, #tpu.memory_space<vmem>>, vector<1x1x16xf32>,
        %get3A_609 = vector.shape_cast %get3A_608 : vector<1x1x16xf32> to vector<16xf32>
        %add3A_610 = arith.addf %add3A_538, %get3A_609 : vector<16xf32>
        %add3A_611 = arith.constant 6 : i32
        %add3A_612 = arith.addi %mul3A_377, %add3A_611 : i32
        %get3A_613 = arith.constant 2 : i32
        %get3A_614 = arith.index_cast %get3A_613 : i32 to index
        %get3A_615 = arith.index_cast %add3A_612 : i32 to index
        %get3A_616 = arith.constant 32 : index
        %get3A_617 = tpu.vector_load %arg6[%get3A_614, %get3A_615, %get3A_616] {strides = array<i32>} : memref<4x200x64xf32, #tpu.memory_space<vmem>>, vector<1x1x16xf32>,
        %get3A_618 = vector.shape_cast %get3A_617 : vector<1x1x16xf32> to vector<16xf32>
        %add3A_619 = arith.addf %add3A_547, %get3A_618 : vector<16xf32>
        %add3A_620 = arith.constant 6 : i32
        %add3A_621 = arith.addi %mul3A_377, %add3A_620 : i32
        %get3A_622 = arith.constant 2 : i32
        %get3A_623 = arith.index_cast %get3A_622 : i32 to index
        %get3A_624 = arith.index_cast %add3A_621 : i32 to index
        %get3A_625 = arith.constant 48 : index
        %get3A_626 = tpu.vector_load %arg6[%get3A_623, %get3A_624, %get3A_625] {strides = array<i32>} : memref<4x200x64xf32, #tpu.memory_space<vmem>>, vector<1x1x16xf32>,
        %get3A_627 = vector.shape_cast %get3A_626 : vector<1x1x16xf32> to vector<16xf32>
        %add3A_628 = arith.addf %add3A_556, %get3A_627 : vector<16xf32>
        %add3A_629 = arith.constant 7 : i32
        %add3A_630 = arith.addi %mul3A_377, %add3A_629 : i32
        %get3A_631 = arith.constant 2 : i32
        %get3A_632 = arith.index_cast %get3A_631 : i32 to index
        %get3A_633 = arith.index_cast %add3A_630 : i32 to index
        %get3A_634 = arith.constant 0 : index
        %get3A_635 = tpu.vector_load %arg6[%get3A_632, %get3A_633, %get3A_634] {strides = array<i32>} : memref<4x200x64xf32, #tpu.memory_space<vmem>>, vector<1x1x16xf32>,
        %get3A_636 = vector.shape_cast %get3A_635 : vector<1x1x16xf32> to vector<16xf32>
        %add3A_637 = arith.addf %add3A_565, %get3A_636 : vector<16xf32>
        %add3A_638 = arith.constant 7 : i32
        %add3A_639 = arith.addi %mul3A_377, %add3A_638 : i32
        %get3A_640 = arith.constant 2 : i32
        %get3A_641 = arith.index_cast %get3A_640 : i32 to index
        %get3A_642 = arith.index_cast %add3A_639 : i32 to index
        %get3A_643 = arith.constant 16 : index
        %get3A_644 = tpu.vector_load %arg6[%get3A_641, %get3A_642, %get3A_643] {strides = array<i32>} : memref<4x200x64xf32, #tpu.memory_space<vmem>>, vector<1x1x16xf32>,
        %get3A_645 = vector.shape_cast %get3A_644 : vector<1x1x16xf32> to vector<16xf32>
        %add3A_646 = arith.addf %add3A_574, %get3A_645 : vector<16xf32>
        %add3A_647 = arith.constant 7 : i32
        %add3A_648 = arith.addi %mul3A_377, %add3A_647 : i32
        %get3A_649 = arith.constant 2 : i32
        %get3A_650 = arith.index_cast %get3A_649 : i32 to index
        %get3A_651 = arith.index_cast %add3A_648 : i32 to index
        %get3A_652 = arith.constant 32 : index
        %get3A_653 = tpu.vector_load %arg6[%get3A_650, %get3A_651, %get3A_652] {strides = array<i32>} : memref<4x200x64xf32, #tpu.memory_space<vmem>>, vector<1x1x16xf32>,
        %get3A_654 = vector.shape_cast %get3A_653 : vector<1x1x16xf32> to vector<16xf32>
        %add3A_655 = arith.addf %add3A_583, %get3A_654 : vector<16xf32>
        %add3A_656 = arith.constant 7 : i32
        %add3A_657 = arith.addi %mul3A_377, %add3A_656 : i32
        %get3A_658 = arith.constant 2 : i32
        %get3A_659 = arith.index_cast %get3A_658 : i32 to index
        %get3A_660 = arith.index_cast %add3A_657 : i32 to index
        %get3A_661 = arith.constant 48 : index
        %get3A_662 = tpu.vector_load %arg6[%get3A_659, %get3A_660, %get3A_661] {strides = array<i32>} : memref<4x200x64xf32, #tpu.memory_space<vmem>>, vector<1x1x16xf32>,
        %get3A_663 = vector.shape_cast %get3A_662 : vector<1x1x16xf32> to vector<16xf32>
        %add3A_664 = arith.addf %add3A_592, %get3A_663 : vector<16xf32>
        scf.yield %add3A_601, %add3A_610, %add3A_619, %add3A_628, %add3A_637, %add3A_646, %add3A_655, %add3A_664 : vector<16xf32>, vector<16xf32>, vector<16xf32>, vector<16xf32>, vector<16xf32>, vector<16xf32>, vector<16xf32>, vector<16xf32>
      }
      %scan3A_270 = arith.constant 25 : i32
      %add3A_271 = arith.addf %scan3A_269#0, %scan3A_269#4 : vector<16xf32>
      %swap3A_272 = arith.index_cast %add3A_238 : i32 to index
      %swap3A_273 = arith.constant 0 : index
      %swap3A_274 = tpu.vector_load %arg7[%swap3A_272, %swap3A_273] {strides = array<i32>} : memref<128x64xf32, #tpu.memory_space<vmem>>, vector<1x16xf32>,
      %swap3A_275 = vector.shape_cast %swap3A_274 : vector<1x16xf32> to vector<16xf32>
      %swap3A_276 = vector.shape_cast %add3A_271 : vector<16xf32> to vector<1x16xf32>
      tpu.vector_store %arg7[%swap3A_272, %swap3A_273], %swap3A_276 {strides = array<i32>} : memref<128x64xf32, #tpu.memory_space<vmem>>, vector<1x16xf32>,
      %add3A_277 = arith.addf %scan3A_269#1, %scan3A_269#5 : vector<16xf32>
      %swap3A_278 = arith.index_cast %add3A_238 : i32 to index
      %swap3A_279 = arith.constant 16 : index
      %swap3A_280 = tpu.vector_load %arg7[%swap3A_278, %swap3A_279] {strides = array<i32>} : memref<128x64xf32, #tpu.memory_space<vmem>>, vector<1x16xf32>,
      %swap3A_281 = vector.shape_cast %swap3A_280 : vector<1x16xf32> to vector<16xf32>
      %swap3A_282 = vector.shape_cast %add3A_277 : vector<16xf32> to vector<1x16xf32>
      tpu.vector_store %arg7[%swap3A_278, %swap3A_279], %swap3A_282 {strides = array<i32>} : memref<128x64xf32, #tpu.memory_space<vmem>>, vector<1x16xf32>,
      %add3A_283 = arith.addf %scan3A_269#2, %scan3A_269#6 : vector<16xf32>
      %swap3A_284 = arith.index_cast %add3A_238 : i32 to index
      %swap3A_285 = arith.constant 32 : index
      %swap3A_286 = tpu.vector_load %arg7[%swap3A_284, %swap3A_285] {strides = array<i32>} : memref<128x64xf32, #tpu.memory_space<vmem>>, vector<1x16xf32>,
      %swap3A_287 = vector.shape_cast %swap3A_286 : vector<1x16xf32> to vector<16xf32>
      %swap3A_288 = vector.shape_cast %add3A_283 : vector<16xf32> to vector<1x16xf32>
      tpu.vector_store %arg7[%swap3A_284, %swap3A_285], %swap3A_288 {strides = array<i32>} : memref<128x64xf32, #tpu.memory_space<vmem>>, vector<1x16xf32>,
      %add3A_289 = arith.addf %scan3A_269#3, %scan3A_269#7 : vector<16xf32>
      %swap3A_290 = arith.index_cast %add3A_238 : i32 to index
      %swap3A_291 = arith.constant 48 : index
      %swap3A_292 = tpu.vector_load %arg7[%swap3A_290, %swap3A_291] {strides = array<i32>} : memref<128x64xf32, #tpu.memory_space<vmem>>, vector<1x16xf32>,
      %swap3A_293 = vector.shape_cast %swap3A_292 : vector<1x16xf32> to vector<16xf32>
      %swap3A_294 = vector.shape_cast %add3A_289 : vector<16xf32> to vector<1x16xf32>
      tpu.vector_store %arg7[%swap3A_290, %swap3A_291], %swap3A_294 {strides = array<i32>} : memref<128x64xf32, #tpu.memory_space<vmem>>, vector<1x16xf32>,
      %add3A_295 = arith.constant 4 : i32
      %add3A_296 = arith.addi %add3A_238, %add3A_295 : i32
      %lt3A_297 = arith.constant 128 : i32
      %lt3A_298 = arith.cmpi slt, %add3A_296, %lt3A_297 : i32
      %convert_element_type3A_299 = arith.extui %lt3A_298 : i1 to i32
      %cond3A_300 = arith.constant 0 : i32
      %cond3A_301 = arith.cmpi ne, %convert_element_type3A_299, %cond3A_300 : i32
      scf.if %cond3A_301 {
        %add3A_367 = arith.constant 4 : i32
        %add3A_368 = arith.addi %add3A_238, %add3A_367 : i32
        %dma_start3A_369 = arith.constant 0 : i32
        %dma_start3A_370 = arith.constant 2 : i32
        %dma_start3A_371 = arith.constant 0 : i32
        %dma_start3A_372 = arith.constant 0 : i32
        %dma_start3A_373 = tpu.memref_slice %arg6[%dma_start3A_370, %dma_start3A_371, %dma_start3A_372] : memref<4x200x64xf32, #tpu.memory_space<vmem>> -> memref<1x100x64xf32, #tpu.memory_space<vmem>>
        %dma_start3A_374 = tpu.memref_squeeze %dma_start3A_373 : memref<1x100x64xf32, #tpu.memory_space<vmem>> -> memref<100x64xf32, #tpu.memory_space<vmem>>
        %dma_start3A_375 = arith.constant 0 : i32
        %dma_start3A_376 = tpu.memref_slice %arg5[%add3A_368, %dma_start3A_369, %dma_start3A_375] : memref<128x2x100xi32, #tpu.memory_space<vmem>> -> memref<1x1x100xi32, #tpu.memory_space<vmem>>
        %dma_start3A_377 = tpu.memref_squeeze %dma_start3A_376 : memref<1x1x100xi32, #tpu.memory_space<vmem>> -> memref<100xi32, #tpu.memory_space<vmem>>
        %dma_start3A_378 = arith.constant 0 : i32
        %dma_start3A_379 = arith.constant 0 : i32
        %dma_start3A_380 = tpu.memref_slice %arg3[%dma_start3A_378, %dma_start3A_379] : memref<1000000x64xf32, #tpu.memory_space<hbm>> -> memref<1000000x64xf32, #tpu.memory_space<hbm>>
        tpu.enqueue_indirect_dma source(%dma_start3A_380 : memref<1000000x64xf32, #tpu.memory_space<hbm>>) target(%dma_start3A_374 : memref<100x64xf32, #tpu.memory_space<vmem>>) offsets(%dma_start3A_377 : memref<100xi32, #tpu.memory_space<vmem>>) semaphore(%arg10 : memref<!tpu.dma_semaphore, #tpu.memory_space<semaphore_mem>>)
        %dma_start3A_381 = arith.constant 1 : i32
        %dma_start3A_382 = arith.constant 2 : i32
        %dma_start3A_383 = arith.constant 100 : i32
        %dma_start3A_384 = arith.constant 0 : i32
        %dma_start3A_385 = tpu.memref_slice %arg6[%dma_start3A_382, %dma_start3A_383, %dma_start3A_384] : memref<4x200x64xf32, #tpu.memory_space<vmem>> -> memref<1x100x64xf32, #tpu.memory_space<vmem>>
        %dma_start3A_386 = tpu.memref_squeeze %dma_start3A_385 : memref<1x100x64xf32, #tpu.memory_space<vmem>> -> memref<100x64xf32, #tpu.memory_space<vmem>>
        %dma_start3A_387 = arith.constant 0 : i32
        %dma_start3A_388 = tpu.memref_slice %arg5[%add3A_368, %dma_start3A_381, %dma_start3A_387] : memref<128x2x100xi32, #tpu.memory_space<vmem>> -> memref<1x1x100xi32, #tpu.memory_space<vmem>>
        %dma_start3A_389 = tpu.memref_squeeze %dma_start3A_388 : memref<1x1x100xi32, #tpu.memory_space<vmem>> -> memref<100xi32, #tpu.memory_space<vmem>>
        %dma_start3A_390 = arith.constant 0 : i32
        %dma_start3A_391 = arith.constant 0 : i32
        %dma_start3A_392 = tpu.memref_slice %arg3[%dma_start3A_390, %dma_start3A_391] : memref<1000000x64xf32, #tpu.memory_space<hbm>> -> memref<1000000x64xf32, #tpu.memory_space<hbm>>
        tpu.enqueue_indirect_dma source(%dma_start3A_392 : memref<1000000x64xf32, #tpu.memory_space<hbm>>) target(%dma_start3A_386 : memref<100x64xf32, #tpu.memory_space<vmem>>) offsets(%dma_start3A_389 : memref<100xi32, #tpu.memory_space<vmem>>) semaphore(%arg10 : memref<!tpu.dma_semaphore, #tpu.memory_space<semaphore_mem>>)
      } else {
      }
      %add3A_302 = arith.constant 3 : i32
      %add3A_303 = arith.addi %mul3A_111, %add3A_302 : i32
      %dma_wait3A_304 = arith.constant 0 : i32
      %dma_wait3A_305 = arith.constant 0 : i32
      %dma_wait3A_306 = arith.constant 3 : i32
      %dma_wait3A_307 = arith.constant 0 : i32
      %dma_wait3A_308 = arith.constant 0 : i32
      %dma_wait3A_309 = tpu.memref_slice %arg6[%dma_wait3A_306, %dma_wait3A_307, %dma_wait3A_308] : memref<4x200x64xf32, #tpu.memory_space<vmem>> -> memref<1x100x64xf32, #tpu.memory_space<vmem>>
      %dma_wait3A_310 = tpu.memref_squeeze %dma_wait3A_309 : memref<1x100x64xf32, #tpu.memory_space<vmem>> -> memref<100x64xf32, #tpu.memory_space<vmem>>
      %dma_wait3A_311 = arith.constant 0 : i32
      %dma_wait3A_312 = tpu.memref_slice %arg5[%dma_wait3A_304, %dma_wait3A_305, %dma_wait3A_311] : memref<128x2x100xi32, #tpu.memory_space<vmem>> -> memref<1x1x100xi32, #tpu.memory_space<vmem>>
      %dma_wait3A_313 = tpu.memref_squeeze %dma_wait3A_312 : memref<1x1x100xi32, #tpu.memory_space<vmem>> -> memref<100xi32, #tpu.memory_space<vmem>>
      %dma_wait3A_314 = arith.constant 0 : i32
      %dma_wait3A_315 = arith.constant 0 : i32
      %dma_wait3A_316 = tpu.memref_slice %arg3[%dma_wait3A_314, %dma_wait3A_315] : memref<1000000x64xf32, #tpu.memory_space<hbm>> -> memref<1000000x64xf32, #tpu.memory_space<hbm>>
      tpu.wait_indirect_dma semaphore(%arg11 : memref<!tpu.dma_semaphore, #tpu.memory_space<semaphore_mem>>) src(%dma_wait3A_316 : memref<1000000x64xf32, #tpu.memory_space<hbm>>) dst(%dma_wait3A_310 : memref<100x64xf32, #tpu.memory_space<vmem>>)
      %dma_wait3A_317 = arith.constant 0 : i32
      %dma_wait3A_318 = arith.constant 1 : i32
      %dma_wait3A_319 = arith.constant 3 : i32
      %dma_wait3A_320 = arith.constant 100 : i32
      %dma_wait3A_321 = arith.constant 0 : i32
      %dma_wait3A_322 = tpu.memref_slice %arg6[%dma_wait3A_319, %dma_wait3A_320, %dma_wait3A_321] : memref<4x200x64xf32, #tpu.memory_space<vmem>> -> memref<1x100x64xf32, #tpu.memory_space<vmem>>
      %dma_wait3A_323 = tpu.memref_squeeze %dma_wait3A_322 : memref<1x100x64xf32, #tpu.memory_space<vmem>> -> memref<100x64xf32, #tpu.memory_space<vmem>>
      %dma_wait3A_324 = arith.constant 0 : i32
      %dma_wait3A_325 = tpu.memref_slice %arg5[%dma_wait3A_317, %dma_wait3A_318, %dma_wait3A_324] : memref<128x2x100xi32, #tpu.memory_space<vmem>> -> memref<1x1x100xi32, #tpu.memory_space<vmem>>
      %dma_wait3A_326 = tpu.memref_squeeze %dma_wait3A_325 : memref<1x1x100xi32, #tpu.memory_space<vmem>> -> memref<100xi32, #tpu.memory_space<vmem>>
      %dma_wait3A_327 = arith.constant 0 : i32
      %dma_wait3A_328 = arith.constant 0 : i32
      %dma_wait3A_329 = tpu.memref_slice %arg3[%dma_wait3A_327, %dma_wait3A_328] : memref<1000000x64xf32, #tpu.memory_space<hbm>> -> memref<1000000x64xf32, #tpu.memory_space<hbm>>
      tpu.wait_indirect_dma semaphore(%arg11 : memref<!tpu.dma_semaphore, #tpu.memory_space<semaphore_mem>>) src(%dma_wait3A_329 : memref<1000000x64xf32, #tpu.memory_space<hbm>>) dst(%dma_wait3A_323 : memref<100x64xf32, #tpu.memory_space<vmem>>)
      %scan3A_330 = arith.constant 0 : i32
      %scan3A_331 = arith.constant 25 : i32
      %scan3A_332 = arith.addi %scan3A_330, %scan3A_331 : i32
      %scan3A_333 = arith.constant 1 : i32
      %scan3A_334:8 = scf.for %scan3A_367 = %scan3A_330 to %scan3A_332 step %scan3A_333 iter_args(%scan3A_368 = %broadcast_in_dim3A_104, %scan3A_369 = %broadcast_in_dim3A_104, %scan3A_370 = %broadcast_in_dim3A_104, %scan3A_371 = %broadcast_in_dim3A_104, %scan3A_372 = %broadcast_in_dim3A_104, %scan3A_373 = %broadcast_in_dim3A_104, %scan3A_374 = %broadcast_in_dim3A_104, %scan3A_375 = %broadcast_in_dim3A_104) -> (vector<16xf32>, vector<16xf32>, vector<16xf32>, vector<16xf32>, vector<16xf32>, vector<16xf32>, vector<16xf32>, vector<16xf32>)  : i32 {
        %mul3A_376 = arith.constant 8 : i32
        %mul3A_377 = arith.muli %scan3A_367, %mul3A_376 : i32
        %add3A_378 = arith.constant 0 : i32
        %add3A_379 = arith.addi %mul3A_377, %add3A_378 : i32
        %get3A = arith.constant 3 : i32
        %get3A_380 = arith.index_cast %get3A : i32 to index
        %get3A_381 = arith.index_cast %add3A_379 : i32 to index
        %get3A_382 = arith.constant 0 : index
        %get3A_383 = tpu.vector_load %arg6[%get3A_380, %get3A_381, %get3A_382] {strides = array<i32>} : memref<4x200x64xf32, #tpu.memory_space<vmem>>, vector<1x1x16xf32>,
        %get3A_384 = vector.shape_cast %get3A_383 : vector<1x1x16xf32> to vector<16xf32>
        %add3A_385 = arith.addf %scan3A_368, %get3A_384 : vector<16xf32>
        %add3A_386 = arith.constant 0 : i32
        %add3A_387 = arith.addi %mul3A_377, %add3A_386 : i32
        %get3A_388 = arith.constant 3 : i32
        %get3A_389 = arith.index_cast %get3A_388 : i32 to index
        %get3A_390 = arith.index_cast %add3A_387 : i32 to index
        %get3A_391 = arith.constant 16 : index
        %get3A_392 = tpu.vector_load %arg6[%get3A_389, %get3A_390, %get3A_391] {strides = array<i32>} : memref<4x200x64xf32, #tpu.memory_space<vmem>>, vector<1x1x16xf32>,
        %get3A_393 = vector.shape_cast %get3A_392 : vector<1x1x16xf32> to vector<16xf32>
        %add3A_394 = arith.addf %scan3A_369, %get3A_393 : vector<16xf32>
        %add3A_395 = arith.constant 0 : i32
        %add3A_396 = arith.addi %mul3A_377, %add3A_395 : i32
        %get3A_397 = arith.constant 3 : i32
        %get3A_398 = arith.index_cast %get3A_397 : i32 to index
        %get3A_399 = arith.index_cast %add3A_396 : i32 to index
        %get3A_400 = arith.constant 32 : index
        %get3A_401 = tpu.vector_load %arg6[%get3A_398, %get3A_399, %get3A_400] {strides = array<i32>} : memref<4x200x64xf32, #tpu.memory_space<vmem>>, vector<1x1x16xf32>,
        %get3A_402 = vector.shape_cast %get3A_401 : vector<1x1x16xf32> to vector<16xf32>
        %add3A_403 = arith.addf %scan3A_370, %get3A_402 : vector<16xf32>
        %add3A_404 = arith.constant 0 : i32
        %add3A_405 = arith.addi %mul3A_377, %add3A_404 : i32
        %get3A_406 = arith.constant 3 : i32
        %get3A_407 = arith.index_cast %get3A_406 : i32 to index
        %get3A_408 = arith.index_cast %add3A_405 : i32 to index
        %get3A_409 = arith.constant 48 : index
        %get3A_410 = tpu.vector_load %arg6[%get3A_407, %get3A_408, %get3A_409] {strides = array<i32>} : memref<4x200x64xf32, #tpu.memory_space<vmem>>, vector<1x1x16xf32>,
        %get3A_411 = vector.shape_cast %get3A_410 : vector<1x1x16xf32> to vector<16xf32>
        %add3A_412 = arith.addf %scan3A_371, %get3A_411 : vector<16xf32>
        %add3A_413 = arith.constant 1 : i32
        %add3A_414 = arith.addi %mul3A_377, %add3A_413 : i32
        %get3A_415 = arith.constant 3 : i32
        %get3A_416 = arith.index_cast %get3A_415 : i32 to index
        %get3A_417 = arith.index_cast %add3A_414 : i32 to index
        %get3A_418 = arith.constant 0 : index
        %get3A_419 = tpu.vector_load %arg6[%get3A_416, %get3A_417, %get3A_418] {strides = array<i32>} : memref<4x200x64xf32, #tpu.memory_space<vmem>>, vector<1x1x16xf32>,
        %get3A_420 = vector.shape_cast %get3A_419 : vector<1x1x16xf32> to vector<16xf32>
        %add3A_421 = arith.addf %scan3A_372, %get3A_420 : vector<16xf32>
        %add3A_422 = arith.constant 1 : i32
        %add3A_423 = arith.addi %mul3A_377, %add3A_422 : i32
        %get3A_424 = arith.constant 3 : i32
        %get3A_425 = arith.index_cast %get3A_424 : i32 to index
        %get3A_426 = arith.index_cast %add3A_423 : i32 to index
        %get3A_427 = arith.constant 16 : index
        %get3A_428 = tpu.vector_load %arg6[%get3A_425, %get3A_426, %get3A_427] {strides = array<i32>} : memref<4x200x64xf32, #tpu.memory_space<vmem>>, vector<1x1x16xf32>,
        %get3A_429 = vector.shape_cast %get3A_428 : vector<1x1x16xf32> to vector<16xf32>
        %add3A_430 = arith.addf %scan3A_373, %get3A_429 : vector<16xf32>
        %add3A_431 = arith.constant 1 : i32
        %add3A_432 = arith.addi %mul3A_377, %add3A_431 : i32
        %get3A_433 = arith.constant 3 : i32
        %get3A_434 = arith.index_cast %get3A_433 : i32 to index
        %get3A_435 = arith.index_cast %add3A_432 : i32 to index
        %get3A_436 = arith.constant 32 : index
        %get3A_437 = tpu.vector_load %arg6[%get3A_434, %get3A_435, %get3A_436] {strides = array<i32>} : memref<4x200x64xf32, #tpu.memory_space<vmem>>, vector<1x1x16xf32>,
        %get3A_438 = vector.shape_cast %get3A_437 : vector<1x1x16xf32> to vector<16xf32>
        %add3A_439 = arith.addf %scan3A_374, %get3A_438 : vector<16xf32>
        %add3A_440 = arith.constant 1 : i32
        %add3A_441 = arith.addi %mul3A_377, %add3A_440 : i32
        %get3A_442 = arith.constant 3 : i32
        %get3A_443 = arith.index_cast %get3A_442 : i32 to index
        %get3A_444 = arith.index_cast %add3A_441 : i32 to index
        %get3A_445 = arith.constant 48 : index
        %get3A_446 = tpu.vector_load %arg6[%get3A_443, %get3A_444, %get3A_445] {strides = array<i32>} : memref<4x200x64xf32, #tpu.memory_space<vmem>>, vector<1x1x16xf32>,
        %get3A_447 = vector.shape_cast %get3A_446 : vector<1x1x16xf32> to vector<16xf32>
        %add3A_448 = arith.addf %scan3A_375, %get3A_447 : vector<16xf32>
        %add3A_449 = arith.constant 2 : i32
        %add3A_450 = arith.addi %mul3A_377, %add3A_449 : i32
        %get3A_451 = arith.constant 3 : i32
        %get3A_452 = arith.index_cast %get3A_451 : i32 to index
        %get3A_453 = arith.index_cast %add3A_450 : i32 to index
        %get3A_454 = arith.constant 0 : index
        %get3A_455 = tpu.vector_load %arg6[%get3A_452, %get3A_453, %get3A_454] {strides = array<i32>} : memref<4x200x64xf32, #tpu.memory_space<vmem>>, vector<1x1x16xf32>,
        %get3A_456 = vector.shape_cast %get3A_455 : vector<1x1x16xf32> to vector<16xf32>
        %add3A_457 = arith.addf %add3A_385, %get3A_456 : vector<16xf32>
        %add3A_458 = arith.constant 2 : i32
        %add3A_459 = arith.addi %mul3A_377, %add3A_458 : i32
        %get3A_460 = arith.constant 3 : i32
        %get3A_461 = arith.index_cast %get3A_460 : i32 to index
        %get3A_462 = arith.index_cast %add3A_459 : i32 to index
        %get3A_463 = arith.constant 16 : index
        %get3A_464 = tpu.vector_load %arg6[%get3A_461, %get3A_462, %get3A_463] {strides = array<i32>} : memref<4x200x64xf32, #tpu.memory_space<vmem>>, vector<1x1x16xf32>,
        %get3A_465 = vector.shape_cast %get3A_464 : vector<1x1x16xf32> to vector<16xf32>
        %add3A_466 = arith.addf %add3A_394, %get3A_465 : vector<16xf32>
        %add3A_467 = arith.constant 2 : i32
        %add3A_468 = arith.addi %mul3A_377, %add3A_467 : i32
        %get3A_469 = arith.constant 3 : i32
        %get3A_470 = arith.index_cast %get3A_469 : i32 to index
        %get3A_471 = arith.index_cast %add3A_468 : i32 to index
        %get3A_472 = arith.constant 32 : index
        %get3A_473 = tpu.vector_load %arg6[%get3A_470, %get3A_471, %get3A_472] {strides = array<i32>} : memref<4x200x64xf32, #tpu.memory_space<vmem>>, vector<1x1x16xf32>,
        %get3A_474 = vector.shape_cast %get3A_473 : vector<1x1x16xf32> to vector<16xf32>
        %add3A_475 = arith.addf %add3A_403, %get3A_474 : vector<16xf32>
        %add3A_476 = arith.constant 2 : i32
        %add3A_477 = arith.addi %mul3A_377, %add3A_476 : i32
        %get3A_478 = arith.constant 3 : i32
        %get3A_479 = arith.index_cast %get3A_478 : i32 to index
        %get3A_480 = arith.index_cast %add3A_477 : i32 to index
        %get3A_481 = arith.constant 48 : index
        %get3A_482 = tpu.vector_load %arg6[%get3A_479, %get3A_480, %get3A_481] {strides = array<i32>} : memref<4x200x64xf32, #tpu.memory_space<vmem>>, vector<1x1x16xf32>,
        %get3A_483 = vector.shape_cast %get3A_482 : vector<1x1x16xf32> to vector<16xf32>
        %add3A_484 = arith.addf %add3A_412, %get3A_483 : vector<16xf32>
        %add3A_485 = arith.constant 3 : i32
        %add3A_486 = arith.addi %mul3A_377, %add3A_485 : i32
        %get3A_487 = arith.constant 3 : i32
        %get3A_488 = arith.index_cast %get3A_487 : i32 to index
        %get3A_489 = arith.index_cast %add3A_486 : i32 to index
        %get3A_490 = arith.constant 0 : index
        %get3A_491 = tpu.vector_load %arg6[%get3A_488, %get3A_489, %get3A_490] {strides = array<i32>} : memref<4x200x64xf32, #tpu.memory_space<vmem>>, vector<1x1x16xf32>,
        %get3A_492 = vector.shape_cast %get3A_491 : vector<1x1x16xf32> to vector<16xf32>
        %add3A_493 = arith.addf %add3A_421, %get3A_492 : vector<16xf32>
        %add3A_494 = arith.constant 3 : i32
        %add3A_495 = arith.addi %mul3A_377, %add3A_494 : i32
        %get3A_496 = arith.constant 3 : i32
        %get3A_497 = arith.index_cast %get3A_496 : i32 to index
        %get3A_498 = arith.index_cast %add3A_495 : i32 to index
        %get3A_499 = arith.constant 16 : index
        %get3A_500 = tpu.vector_load %arg6[%get3A_497, %get3A_498, %get3A_499] {strides = array<i32>} : memref<4x200x64xf32, #tpu.memory_space<vmem>>, vector<1x1x16xf32>,
        %get3A_501 = vector.shape_cast %get3A_500 : vector<1x1x16xf32> to vector<16xf32>
        %add3A_502 = arith.addf %add3A_430, %get3A_501 : vector<16xf32>
        %add3A_503 = arith.constant 3 : i32
        %add3A_504 = arith.addi %mul3A_377, %add3A_503 : i32
        %get3A_505 = arith.constant 3 : i32
        %get3A_506 = arith.index_cast %get3A_505 : i32 to index
        %get3A_507 = arith.index_cast %add3A_504 : i32 to index
        %get3A_508 = arith.constant 32 : index
        %get3A_509 = tpu.vector_load %arg6[%get3A_506, %get3A_507, %get3A_508] {strides = array<i32>} : memref<4x200x64xf32, #tpu.memory_space<vmem>>, vector<1x1x16xf32>,
        %get3A_510 = vector.shape_cast %get3A_509 : vector<1x1x16xf32> to vector<16xf32>
        %add3A_511 = arith.addf %add3A_439, %get3A_510 : vector<16xf32>
        %add3A_512 = arith.constant 3 : i32
        %add3A_513 = arith.addi %mul3A_377, %add3A_512 : i32
        %get3A_514 = arith.constant 3 : i32
        %get3A_515 = arith.index_cast %get3A_514 : i32 to index
        %get3A_516 = arith.index_cast %add3A_513 : i32 to index
        %get3A_517 = arith.constant 48 : index
        %get3A_518 = tpu.vector_load %arg6[%get3A_515, %get3A_516, %get3A_517] {strides = array<i32>} : memref<4x200x64xf32, #tpu.memory_space<vmem>>, vector<1x1x16xf32>,
        %get3A_519 = vector.shape_cast %get3A_518 : vector<1x1x16xf32> to vector<16xf32>
        %add3A_520 = arith.addf %add3A_448, %get3A_519 : vector<16xf32>
        %add3A_521 = arith.constant 4 : i32
        %add3A_522 = arith.addi %mul3A_377, %add3A_521 : i32
        %get3A_523 = arith.constant 3 : i32
        %get3A_524 = arith.index_cast %get3A_523 : i32 to index
        %get3A_525 = arith.index_cast %add3A_522 : i32 to index
        %get3A_526 = arith.constant 0 : index
        %get3A_527 = tpu.vector_load %arg6[%get3A_524, %get3A_525, %get3A_526] {strides = array<i32>} : memref<4x200x64xf32, #tpu.memory_space<vmem>>, vector<1x1x16xf32>,
        %get3A_528 = vector.shape_cast %get3A_527 : vector<1x1x16xf32> to vector<16xf32>
        %add3A_529 = arith.addf %add3A_457, %get3A_528 : vector<16xf32>
        %add3A_530 = arith.constant 4 : i32
        %add3A_531 = arith.addi %mul3A_377, %add3A_530 : i32
        %get3A_532 = arith.constant 3 : i32
        %get3A_533 = arith.index_cast %get3A_532 : i32 to index
        %get3A_534 = arith.index_cast %add3A_531 : i32 to index
        %get3A_535 = arith.constant 16 : index
        %get3A_536 = tpu.vector_load %arg6[%get3A_533, %get3A_534, %get3A_535] {strides = array<i32>} : memref<4x200x64xf32, #tpu.memory_space<vmem>>, vector<1x1x16xf32>,
        %get3A_537 = vector.shape_cast %get3A_536 : vector<1x1x16xf32> to vector<16xf32>
        %add3A_538 = arith.addf %add3A_466, %get3A_537 : vector<16xf32>
        %add3A_539 = arith.constant 4 : i32
        %add3A_540 = arith.addi %mul3A_377, %add3A_539 : i32
        %get3A_541 = arith.constant 3 : i32
        %get3A_542 = arith.index_cast %get3A_541 : i32 to index
        %get3A_543 = arith.index_cast %add3A_540 : i32 to index
        %get3A_544 = arith.constant 32 : index
        %get3A_545 = tpu.vector_load %arg6[%get3A_542, %get3A_543, %get3A_544] {strides = array<i32>} : memref<4x200x64xf32, #tpu.memory_space<vmem>>, vector<1x1x16xf32>,
        %get3A_546 = vector.shape_cast %get3A_545 : vector<1x1x16xf32> to vector<16xf32>
        %add3A_547 = arith.addf %add3A_475, %get3A_546 : vector<16xf32>
        %add3A_548 = arith.constant 4 : i32
        %add3A_549 = arith.addi %mul3A_377, %add3A_548 : i32
        %get3A_550 = arith.constant 3 : i32
        %get3A_551 = arith.index_cast %get3A_550 : i32 to index
        %get3A_552 = arith.index_cast %add3A_549 : i32 to index
        %get3A_553 = arith.constant 48 : index
        %get3A_554 = tpu.vector_load %arg6[%get3A_551, %get3A_552, %get3A_553] {strides = array<i32>} : memref<4x200x64xf32, #tpu.memory_space<vmem>>, vector<1x1x16xf32>,
        %get3A_555 = vector.shape_cast %get3A_554 : vector<1x1x16xf32> to vector<16xf32>
        %add3A_556 = arith.addf %add3A_484, %get3A_555 : vector<16xf32>
        %add3A_557 = arith.constant 5 : i32
        %add3A_558 = arith.addi %mul3A_377, %add3A_557 : i32
        %get3A_559 = arith.constant 3 : i32
        %get3A_560 = arith.index_cast %get3A_559 : i32 to index
        %get3A_561 = arith.index_cast %add3A_558 : i32 to index
        %get3A_562 = arith.constant 0 : index
        %get3A_563 = tpu.vector_load %arg6[%get3A_560, %get3A_561, %get3A_562] {strides = array<i32>} : memref<4x200x64xf32, #tpu.memory_space<vmem>>, vector<1x1x16xf32>,
        %get3A_564 = vector.shape_cast %get3A_563 : vector<1x1x16xf32> to vector<16xf32>
        %add3A_565 = arith.addf %add3A_493, %get3A_564 : vector<16xf32>
        %add3A_566 = arith.constant 5 : i32
        %add3A_567 = arith.addi %mul3A_377, %add3A_566 : i32
        %get3A_568 = arith.constant 3 : i32
        %get3A_569 = arith.index_cast %get3A_568 : i32 to index
        %get3A_570 = arith.index_cast %add3A_567 : i32 to index
        %get3A_571 = arith.constant 16 : index
        %get3A_572 = tpu.vector_load %arg6[%get3A_569, %get3A_570, %get3A_571] {strides = array<i32>} : memref<4x200x64xf32, #tpu.memory_space<vmem>>, vector<1x1x16xf32>,
        %get3A_573 = vector.shape_cast %get3A_572 : vector<1x1x16xf32> to vector<16xf32>
        %add3A_574 = arith.addf %add3A_502, %get3A_573 : vector<16xf32>
        %add3A_575 = arith.constant 5 : i32
        %add3A_576 = arith.addi %mul3A_377, %add3A_575 : i32
        %get3A_577 = arith.constant 3 : i32
        %get3A_578 = arith.index_cast %get3A_577 : i32 to index
        %get3A_579 = arith.index_cast %add3A_576 : i32 to index
        %get3A_580 = arith.constant 32 : index
        %get3A_581 = tpu.vector_load %arg6[%get3A_578, %get3A_579, %get3A_580] {strides = array<i32>} : memref<4x200x64xf32, #tpu.memory_space<vmem>>, vector<1x1x16xf32>,
        %get3A_582 = vector.shape_cast %get3A_581 : vector<1x1x16xf32> to vector<16xf32>
        %add3A_583 = arith.addf %add3A_511, %get3A_582 : vector<16xf32>
        %add3A_584 = arith.constant 5 : i32
        %add3A_585 = arith.addi %mul3A_377, %add3A_584 : i32
        %get3A_586 = arith.constant 3 : i32
        %get3A_587 = arith.index_cast %get3A_586 : i32 to index
        %get3A_588 = arith.index_cast %add3A_585 : i32 to index
        %get3A_589 = arith.constant 48 : index
        %get3A_590 = tpu.vector_load %arg6[%get3A_587, %get3A_588, %get3A_589] {strides = array<i32>} : memref<4x200x64xf32, #tpu.memory_space<vmem>>, vector<1x1x16xf32>,
        %get3A_591 = vector.shape_cast %get3A_590 : vector<1x1x16xf32> to vector<16xf32>
        %add3A_592 = arith.addf %add3A_520, %get3A_591 : vector<16xf32>
        %add3A_593 = arith.constant 6 : i32
        %add3A_594 = arith.addi %mul3A_377, %add3A_593 : i32
        %get3A_595 = arith.constant 3 : i32
        %get3A_596 = arith.index_cast %get3A_595 : i32 to index
        %get3A_597 = arith.index_cast %add3A_594 : i32 to index
        %get3A_598 = arith.constant 0 : index
        %get3A_599 = tpu.vector_load %arg6[%get3A_596, %get3A_597, %get3A_598] {strides = array<i32>} : memref<4x200x64xf32, #tpu.memory_space<vmem>>, vector<1x1x16xf32>,
        %get3A_600 = vector.shape_cast %get3A_599 : vector<1x1x16xf32> to vector<16xf32>
        %add3A_601 = arith.addf %add3A_529, %get3A_600 : vector<16xf32>
        %add3A_602 = arith.constant 6 : i32
        %add3A_603 = arith.addi %mul3A_377, %add3A_602 : i32
        %get3A_604 = arith.constant 3 : i32
        %get3A_605 = arith.index_cast %get3A_604 : i32 to index
        %get3A_606 = arith.index_cast %add3A_603 : i32 to index
        %get3A_607 = arith.constant 16 : index
        %get3A_608 = tpu.vector_load %arg6[%get3A_605, %get3A_606, %get3A_607] {strides = array<i32>} : memref<4x200x64xf32, #tpu.memory_space<vmem>>, vector<1x1x16xf32>,
        %get3A_609 = vector.shape_cast %get3A_608 : vector<1x1x16xf32> to vector<16xf32>
        %add3A_610 = arith.addf %add3A_538, %get3A_609 : vector<16xf32>
        %add3A_611 = arith.constant 6 : i32
        %add3A_612 = arith.addi %mul3A_377, %add3A_611 : i32
        %get3A_613 = arith.constant 3 : i32
        %get3A_614 = arith.index_cast %get3A_613 : i32 to index
        %get3A_615 = arith.index_cast %add3A_612 : i32 to index
        %get3A_616 = arith.constant 32 : index
        %get3A_617 = tpu.vector_load %arg6[%get3A_614, %get3A_615, %get3A_616] {strides = array<i32>} : memref<4x200x64xf32, #tpu.memory_space<vmem>>, vector<1x1x16xf32>,
        %get3A_618 = vector.shape_cast %get3A_617 : vector<1x1x16xf32> to vector<16xf32>
        %add3A_619 = arith.addf %add3A_547, %get3A_618 : vector<16xf32>
        %add3A_620 = arith.constant 6 : i32
        %add3A_621 = arith.addi %mul3A_377, %add3A_620 : i32
        %get3A_622 = arith.constant 3 : i32
        %get3A_623 = arith.index_cast %get3A_622 : i32 to index
        %get3A_624 = arith.index_cast %add3A_621 : i32 to index
        %get3A_625 = arith.constant 48 : index
        %get3A_626 = tpu.vector_load %arg6[%get3A_623, %get3A_624, %get3A_625] {strides = array<i32>} : memref<4x200x64xf32, #tpu.memory_space<vmem>>, vector<1x1x16xf32>,
        %get3A_627 = vector.shape_cast %get3A_626 : vector<1x1x16xf32> to vector<16xf32>
        %add3A_628 = arith.addf %add3A_556, %get3A_627 : vector<16xf32>
        %add3A_629 = arith.constant 7 : i32
        %add3A_630 = arith.addi %mul3A_377, %add3A_629 : i32
        %get3A_631 = arith.constant 3 : i32
        %get3A_632 = arith.index_cast %get3A_631 : i32 to index
        %get3A_633 = arith.index_cast %add3A_630 : i32 to index
        %get3A_634 = arith.constant 0 : index
        %get3A_635 = tpu.vector_load %arg6[%get3A_632, %get3A_633, %get3A_634] {strides = array<i32>} : memref<4x200x64xf32, #tpu.memory_space<vmem>>, vector<1x1x16xf32>,
        %get3A_636 = vector.shape_cast %get3A_635 : vector<1x1x16xf32> to vector<16xf32>
        %add3A_637 = arith.addf %add3A_565, %get3A_636 : vector<16xf32>
        %add3A_638 = arith.constant 7 : i32
        %add3A_639 = arith.addi %mul3A_377, %add3A_638 : i32
        %get3A_640 = arith.constant 3 : i32
        %get3A_641 = arith.index_cast %get3A_640 : i32 to index
        %get3A_642 = arith.index_cast %add3A_639 : i32 to index
        %get3A_643 = arith.constant 16 : index
        %get3A_644 = tpu.vector_load %arg6[%get3A_641, %get3A_642, %get3A_643] {strides = array<i32>} : memref<4x200x64xf32, #tpu.memory_space<vmem>>, vector<1x1x16xf32>,
        %get3A_645 = vector.shape_cast %get3A_644 : vector<1x1x16xf32> to vector<16xf32>
        %add3A_646 = arith.addf %add3A_574, %get3A_645 : vector<16xf32>
        %add3A_647 = arith.constant 7 : i32
        %add3A_648 = arith.addi %mul3A_377, %add3A_647 : i32
        %get3A_649 = arith.constant 3 : i32
        %get3A_650 = arith.index_cast %get3A_649 : i32 to index
        %get3A_651 = arith.index_cast %add3A_648 : i32 to index
        %get3A_652 = arith.constant 32 : index
        %get3A_653 = tpu.vector_load %arg6[%get3A_650, %get3A_651, %get3A_652] {strides = array<i32>} : memref<4x200x64xf32, #tpu.memory_space<vmem>>, vector<1x1x16xf32>,
        %get3A_654 = vector.shape_cast %get3A_653 : vector<1x1x16xf32> to vector<16xf32>
        %add3A_655 = arith.addf %add3A_583, %get3A_654 : vector<16xf32>
        %add3A_656 = arith.constant 7 : i32
        %add3A_657 = arith.addi %mul3A_377, %add3A_656 : i32
        %get3A_658 = arith.constant 3 : i32
        %get3A_659 = arith.index_cast %get3A_658 : i32 to index
        %get3A_660 = arith.index_cast %add3A_657 : i32 to index
        %get3A_661 = arith.constant 48 : index
        %get3A_662 = tpu.vector_load %arg6[%get3A_659, %get3A_660, %get3A_661] {strides = array<i32>} : memref<4x200x64xf32, #tpu.memory_space<vmem>>, vector<1x1x16xf32>,
        %get3A_663 = vector.shape_cast %get3A_662 : vector<1x1x16xf32> to vector<16xf32>
        %add3A_664 = arith.addf %add3A_592, %get3A_663 : vector<16xf32>
        scf.yield %add3A_601, %add3A_610, %add3A_619, %add3A_628, %add3A_637, %add3A_646, %add3A_655, %add3A_664 : vector<16xf32>, vector<16xf32>, vector<16xf32>, vector<16xf32>, vector<16xf32>, vector<16xf32>, vector<16xf32>, vector<16xf32>
      }
      %scan3A_335 = arith.constant 25 : i32
      %add3A_336 = arith.addf %scan3A_334#0, %scan3A_334#4 : vector<16xf32>
      %swap3A_337 = arith.index_cast %add3A_303 : i32 to index
      %swap3A_338 = arith.constant 0 : index
      %swap3A_339 = tpu.vector_load %arg7[%swap3A_337, %swap3A_338] {strides = array<i32>} : memref<128x64xf32, #tpu.memory_space<vmem>>, vector<1x16xf32>,
      %swap3A_340 = vector.shape_cast %swap3A_339 : vector<1x16xf32> to vector<16xf32>
      %swap3A_341 = vector.shape_cast %add3A_336 : vector<16xf32> to vector<1x16xf32>
      tpu.vector_store %arg7[%swap3A_337, %swap3A_338], %swap3A_341 {strides = array<i32>} : memref<128x64xf32, #tpu.memory_space<vmem>>, vector<1x16xf32>,
      %add3A_342 = arith.addf %scan3A_334#1, %scan3A_334#5 : vector<16xf32>
      %swap3A_343 = arith.index_cast %add3A_303 : i32 to index
      %swap3A_344 = arith.constant 16 : index
      %swap3A_345 = tpu.vector_load %arg7[%swap3A_343, %swap3A_344] {strides = array<i32>} : memref<128x64xf32, #tpu.memory_space<vmem>>, vector<1x16xf32>,
      %swap3A_346 = vector.shape_cast %swap3A_345 : vector<1x16xf32> to vector<16xf32>
      %swap3A_347 = vector.shape_cast %add3A_342 : vector<16xf32> to vector<1x16xf32>
      tpu.vector_store %arg7[%swap3A_343, %swap3A_344], %swap3A_347 {strides = array<i32>} : memref<128x64xf32, #tpu.memory_space<vmem>>, vector<1x16xf32>,
      %add3A_348 = arith.addf %scan3A_334#2, %scan3A_334#6 : vector<16xf32>
      %swap3A_349 = arith.index_cast %add3A_303 : i32 to index
      %swap3A_350 = arith.constant 32 : index
      %swap3A_351 = tpu.vector_load %arg7[%swap3A_349, %swap3A_350] {strides = array<i32>} : memref<128x64xf32, #tpu.memory_space<vmem>>, vector<1x16xf32>,
      %swap3A_352 = vector.shape_cast %swap3A_351 : vector<1x16xf32> to vector<16xf32>
      %swap3A_353 = vector.shape_cast %add3A_348 : vector<16xf32> to vector<1x16xf32>
      tpu.vector_store %arg7[%swap3A_349, %swap3A_350], %swap3A_353 {strides = array<i32>} : memref<128x64xf32, #tpu.memory_space<vmem>>, vector<1x16xf32>,
      %add3A_354 = arith.addf %scan3A_334#3, %scan3A_334#7 : vector<16xf32>
      %swap3A_355 = arith.index_cast %add3A_303 : i32 to index
      %swap3A_356 = arith.constant 48 : index
      %swap3A_357 = tpu.vector_load %arg7[%swap3A_355, %swap3A_356] {strides = array<i32>} : memref<128x64xf32, #tpu.memory_space<vmem>>, vector<1x16xf32>,
      %swap3A_358 = vector.shape_cast %swap3A_357 : vector<1x16xf32> to vector<16xf32>
      %swap3A_359 = vector.shape_cast %add3A_354 : vector<16xf32> to vector<1x16xf32>
      tpu.vector_store %arg7[%swap3A_355, %swap3A_356], %swap3A_359 {strides = array<i32>} : memref<128x64xf32, #tpu.memory_space<vmem>>, vector<1x16xf32>,
      %add3A_360 = arith.constant 4 : i32
      %add3A_361 = arith.addi %add3A_303, %add3A_360 : i32
      %lt3A_362 = arith.constant 128 : i32
      %lt3A_363 = arith.cmpi slt, %add3A_361, %lt3A_362 : i32
      %convert_element_type3A_364 = arith.extui %lt3A_363 : i1 to i32
      %cond3A_365 = arith.constant 0 : i32
      %cond3A_366 = arith.cmpi ne, %convert_element_type3A_364, %cond3A_365 : i32
      scf.if %cond3A_366 {
        %add3A_367 = arith.constant 4 : i32
        %add3A_368 = arith.addi %add3A_303, %add3A_367 : i32
        %dma_start3A_369 = arith.constant 0 : i32
        %dma_start3A_370 = arith.constant 3 : i32
        %dma_start3A_371 = arith.constant 0 : i32
        %dma_start3A_372 = arith.constant 0 : i32
        %dma_start3A_373 = tpu.memref_slice %arg6[%dma_start3A_370, %dma_start3A_371, %dma_start3A_372] : memref<4x200x64xf32, #tpu.memory_space<vmem>> -> memref<1x100x64xf32, #tpu.memory_space<vmem>>
        %dma_start3A_374 = tpu.memref_squeeze %dma_start3A_373 : memref<1x100x64xf32, #tpu.memory_space<vmem>> -> memref<100x64xf32, #tpu.memory_space<vmem>>
        %dma_start3A_375 = arith.constant 0 : i32
        %dma_start3A_376 = tpu.memref_slice %arg5[%add3A_368, %dma_start3A_369, %dma_start3A_375] : memref<128x2x100xi32, #tpu.memory_space<vmem>> -> memref<1x1x100xi32, #tpu.memory_space<vmem>>
        %dma_start3A_377 = tpu.memref_squeeze %dma_start3A_376 : memref<1x1x100xi32, #tpu.memory_space<vmem>> -> memref<100xi32, #tpu.memory_space<vmem>>
        %dma_start3A_378 = arith.constant 0 : i32
        %dma_start3A_379 = arith.constant 0 : i32
        %dma_start3A_380 = tpu.memref_slice %arg3[%dma_start3A_378, %dma_start3A_379] : memref<1000000x64xf32, #tpu.memory_space<hbm>> -> memref<1000000x64xf32, #tpu.memory_space<hbm>>
        tpu.enqueue_indirect_dma source(%dma_start3A_380 : memref<1000000x64xf32, #tpu.memory_space<hbm>>) target(%dma_start3A_374 : memref<100x64xf32, #tpu.memory_space<vmem>>) offsets(%dma_start3A_377 : memref<100xi32, #tpu.memory_space<vmem>>) semaphore(%arg11 : memref<!tpu.dma_semaphore, #tpu.memory_space<semaphore_mem>>)
        %dma_start3A_381 = arith.constant 1 : i32
        %dma_start3A_382 = arith.constant 3 : i32
        %dma_start3A_383 = arith.constant 100 : i32
        %dma_start3A_384 = arith.constant 0 : i32
        %dma_start3A_385 = tpu.memref_slice %arg6[%dma_start3A_382, %dma_start3A_383, %dma_start3A_384] : memref<4x200x64xf32, #tpu.memory_space<vmem>> -> memref<1x100x64xf32, #tpu.memory_space<vmem>>
        %dma_start3A_386 = tpu.memref_squeeze %dma_start3A_385 : memref<1x100x64xf32, #tpu.memory_space<vmem>> -> memref<100x64xf32, #tpu.memory_space<vmem>>
        %dma_start3A_387 = arith.constant 0 : i32
        %dma_start3A_388 = tpu.memref_slice %arg5[%add3A_368, %dma_start3A_381, %dma_start3A_387] : memref<128x2x100xi32, #tpu.memory_space<vmem>> -> memref<1x1x100xi32, #tpu.memory_space<vmem>>
        %dma_start3A_389 = tpu.memref_squeeze %dma_start3A_388 : memref<1x1x100xi32, #tpu.memory_space<vmem>> -> memref<100xi32, #tpu.memory_space<vmem>>
        %dma_start3A_390 = arith.constant 0 : i32
        %dma_start3A_391 = arith.constant 0 : i32
        %dma_start3A_392 = tpu.memref_slice %arg3[%dma_start3A_390, %dma_start3A_391] : memref<1000000x64xf32, #tpu.memory_space<hbm>> -> memref<1000000x64xf32, #tpu.memory_space<hbm>>
        tpu.enqueue_indirect_dma source(%dma_start3A_392 : memref<1000000x64xf32, #tpu.memory_space<hbm>>) target(%dma_start3A_386 : memref<100x64xf32, #tpu.memory_space<vmem>>) offsets(%dma_start3A_389 : memref<100xi32, #tpu.memory_space<vmem>>) semaphore(%arg11 : memref<!tpu.dma_semaphore, #tpu.memory_space<semaphore_mem>>)
      } else {
      }
    }
    %scan3A_108 = arith.constant 32 : i32
    "tpu.region"() ({
      %run_scoped3A = tpu.sem_alloc : memref<!tpu.dma_semaphore, #tpu.memory_space<semaphore_mem>>
      %dma_start3A_109 = arith.constant 0 : i32
      %dma_start3A_110 = arith.constant 0 : i32
      %dma_start3A_111 = tpu.memref_slice %arg4[%add3A, %dma_start3A_109, %dma_start3A_110] : memref<32x128x64xf32, #tpu.memory_space<hbm>> -> memref<1x128x64xf32, #tpu.memory_space<hbm>>
      %dma_start3A_112 = tpu.memref_squeeze %dma_start3A_111 : memref<1x128x64xf32, #tpu.memory_space<hbm>> -> memref<128x64xf32, #tpu.memory_space<hbm>>
      %dma_start3A_113 = arith.constant 0 : i32
      %dma_start3A_114 = arith.constant 0 : i32
      %dma_start3A_115 = tpu.memref_slice %arg4[%add3A, %dma_start3A_113, %dma_start3A_114] : memref<32x128x64xf32, #tpu.memory_space<hbm>> -> memref<1x128x64xf32, #tpu.memory_space<hbm>>
      %dma_start3A_116 = tpu.memref_squeeze %dma_start3A_115 : memref<1x128x64xf32, #tpu.memory_space<hbm>> -> memref<128x64xf32, #tpu.memory_space<hbm>>
      tpu.enqueue_dma source(%arg7 : memref<128x64xf32, #tpu.memory_space<vmem>>) target(%dma_start3A_116 : memref<128x64xf32, #tpu.memory_space<hbm>>) target_semaphore(%run_scoped3A : memref<!tpu.dma_semaphore, #tpu.memory_space<semaphore_mem>>)
      %dma_wait3A = arith.constant 0 : i32
      %dma_wait3A_117 = arith.constant 0 : i32
      %dma_wait3A_118 = tpu.memref_slice %arg4[%add3A, %dma_wait3A, %dma_wait3A_117] : memref<32x128x64xf32, #tpu.memory_space<hbm>> -> memref<1x128x64xf32, #tpu.memory_space<hbm>>
      %dma_wait3A_119 = tpu.memref_squeeze %dma_wait3A_118 : memref<1x128x64xf32, #tpu.memory_space<hbm>> -> memref<128x64xf32, #tpu.memory_space<hbm>>
      %dma_wait3A_120 = arith.constant 0 : i32
      %dma_wait3A_121 = arith.constant 0 : i32
      %dma_wait3A_122 = tpu.memref_slice %arg4[%add3A, %dma_wait3A_120, %dma_wait3A_121] : memref<32x128x64xf32, #tpu.memory_space<hbm>> -> memref<1x128x64xf32, #tpu.memory_space<hbm>>
      %dma_wait3A_123 = tpu.memref_squeeze %dma_wait3A_122 : memref<1x128x64xf32, #tpu.memory_space<hbm>> -> memref<128x64xf32, #tpu.memory_space<hbm>>
      tpu.wait_dma2 semaphore(%run_scoped3A : memref<!tpu.dma_semaphore, #tpu.memory_space<semaphore_mem>>) src(%arg7 : memref<128x64xf32, #tpu.memory_space<vmem>>) dst(%dma_wait3A_123 : memref<128x64xf32, #tpu.memory_space<hbm>>)
      tpu.yield
    }) : () -> ()
    return
  }
}

module attributes {stable_mosaic.version = 14 : i64} {
  func.func @_mlp_body(%arg0: memref<4096x64xf32, #tpu.memory_space<vmem>>, %arg1: memref<4096x1xf32, #tpu.memory_space<vmem>>, %arg2: memref<128x64xf32, #tpu.memory_space<vmem>>, %arg3: memref<1x128xf32, #tpu.memory_space<vmem>>, %arg4: memref<50x128xf32, #tpu.memory_space<vmem>>, %arg5: memref<1x50xf32, #tpu.memory_space<vmem>>, %arg6: memref<4096x50xf32, #tpu.memory_space<vmem>>) attributes {dimension_semantics = [], scalar_prefetch = 0 : i64, scratch_operands = 0 : i64, tpu.core_type = #tpu.core_type<tc>} {
    %get3A = arith.constant 0 : index
    %get3A_0 = arith.constant 0 : index
    %get3A_1 = vector.load %arg0[%get3A, %get3A_0] : memref<4096x64xf32, #tpu.memory_space<vmem>>, vector<4096x64xf32>
    %get3A_2 = arith.constant 0 : index
    %get3A_3 = arith.constant 0 : index
    %get3A_4 = vector.load %arg1[%get3A_2, %get3A_3] : memref<4096x1xf32, #tpu.memory_space<vmem>>, vector<4096x1xf32>
    %mul3A = vector.broadcast %get3A_4 : vector<4096x1xf32> to vector<4096x64xf32>
    %mul3A_5 = arith.mulf %get3A_1, %mul3A : vector<4096x64xf32>
    %gt3A = arith.constant 0.000000e+00 : f32
    %gt3A_6 = vector.broadcast %gt3A : f32 to vector<4096x64xf32>
    %gt3A_7 = arith.cmpf ogt, %mul3A_5, %gt3A_6 : vector<4096x64xf32>
    %exp3A = math.exp %mul3A_5 : vector<4096x64xf32>
    %sub3A = arith.constant 1.000000e+00 : f32
    %sub3A_8 = vector.broadcast %sub3A : f32 to vector<4096x64xf32>
    %sub3A_9 = arith.subf %exp3A, %sub3A_8 : vector<4096x64xf32>
    %select_n3A = arith.select %gt3A_7, %mul3A_5, %sub3A_9 : vector<4096x64xi1>, vector<4096x64xf32>
    %get3A_10 = arith.constant 0 : index
    %get3A_11 = arith.constant 0 : index
    %get3A_12 = vector.load %arg2[%get3A_10, %get3A_11] : memref<128x64xf32, #tpu.memory_space<vmem>>, vector<128x64xf32>
    %dot_general3A = arith.constant dense<0.000000e+00> : vector<4096x128xf32>
    %dot_general3A_13 = tpu.matmul %select_n3A, %get3A_12, %dot_general3A {dimension_numbers = #tpu.dot_dimension_numbers<[1], [1], [0], [0], [0, 0, 1, 0], [], []>, transpose_lhs_hint = false} : vector<4096x64xf32>, vector<128x64xf32>, vector<4096x128xf32> -> vector<4096x128xf32>
    %get3A_14 = arith.constant 0 : index
    %get3A_15 = arith.constant 0 : index
    %get3A_16 = vector.load %arg3[%get3A_14, %get3A_15] : memref<1x128xf32, #tpu.memory_space<vmem>>, vector<1x128xf32>
    %add3A = vector.broadcast %get3A_16 : vector<1x128xf32> to vector<4096x128xf32>
    %add3A_17 = arith.addf %dot_general3A_13, %add3A : vector<4096x128xf32>
    %gt3A_18 = arith.constant 0.000000e+00 : f32
    %gt3A_19 = vector.broadcast %gt3A_18 : f32 to vector<4096x128xf32>
    %gt3A_20 = arith.cmpf ogt, %add3A_17, %gt3A_19 : vector<4096x128xf32>
    %exp3A_21 = math.exp %add3A_17 : vector<4096x128xf32>
    %sub3A_22 = arith.constant 1.000000e+00 : f32
    %sub3A_23 = vector.broadcast %sub3A_22 : f32 to vector<4096x128xf32>
    %sub3A_24 = arith.subf %exp3A_21, %sub3A_23 : vector<4096x128xf32>
    %select_n3A_25 = arith.select %gt3A_20, %add3A_17, %sub3A_24 : vector<4096x128xi1>, vector<4096x128xf32>
    %get3A_26 = arith.constant 0 : index
    %get3A_27 = arith.constant 0 : index
    %get3A_28 = vector.load %arg4[%get3A_26, %get3A_27] : memref<50x128xf32, #tpu.memory_space<vmem>>, vector<50x128xf32>
    %dot_general3A_29 = arith.constant dense<0.000000e+00> : vector<4096x50xf32>
    %dot_general3A_30 = tpu.matmul %select_n3A_25, %get3A_28, %dot_general3A_29 {dimension_numbers = #tpu.dot_dimension_numbers<[1], [1], [0], [0], [0, 0, 1, 0], [], []>, transpose_lhs_hint = false} : vector<4096x128xf32>, vector<50x128xf32>, vector<4096x50xf32> -> vector<4096x50xf32>
    %get3A_31 = arith.constant 0 : index
    %get3A_32 = arith.constant 0 : index
    %get3A_33 = vector.load %arg5[%get3A_31, %get3A_32] : memref<1x50xf32, #tpu.memory_space<vmem>>, vector<1x50xf32>
    %add3A_34 = vector.broadcast %get3A_33 : vector<1x50xf32> to vector<4096x50xf32>
    %add3A_35 = arith.addf %dot_general3A_30, %add3A_34 : vector<4096x50xf32>
    %reduce_max3A = arith.constant dense<0xFF800000> : vector<4096xf32>
    %reduce_max3A_36 = vector.multi_reduction <maximumf>, %add3A_35, %reduce_max3A [1] : vector<4096x50xf32> to vector<4096xf32>
    %broadcast_in_dim3A = vector.shape_cast %reduce_max3A_36 : vector<4096xf32> to vector<4096x1xf32>
    %sub3A_37 = vector.broadcast %broadcast_in_dim3A : vector<4096x1xf32> to vector<4096x50xf32>
    %sub3A_38 = arith.subf %add3A_35, %sub3A_37 : vector<4096x50xf32>
    %exp3A_39 = math.exp %sub3A_38 : vector<4096x50xf32>
    %reduce_sum3A = arith.constant dense<0.000000e+00> : vector<4096xf32>
    %reduce_sum3A_40 = vector.multi_reduction <add>, %exp3A_39, %reduce_sum3A [1] : vector<4096x50xf32> to vector<4096xf32>
    %broadcast_in_dim3A_41 = vector.shape_cast %reduce_sum3A_40 : vector<4096xf32> to vector<4096x1xf32>
    %log3A = math.log %broadcast_in_dim3A_41 : vector<4096x1xf32>
    %sub3A_42 = vector.broadcast %log3A : vector<4096x1xf32> to vector<4096x50xf32>
    %sub3A_43 = arith.subf %sub3A_38, %sub3A_42 : vector<4096x50xf32>
    %swap3A = arith.constant 0 : index
    %swap3A_44 = arith.constant 0 : index
    %swap3A_45 = vector.load %arg6[%swap3A, %swap3A_44] : memref<4096x50xf32, #tpu.memory_space<vmem>>, vector<4096x50xf32>
    tpu.vector_store %arg6[%swap3A, %swap3A_44], %sub3A_43 {strides = array<i32>} : memref<4096x50xf32, #tpu.memory_space<vmem>>, vector<4096x50xf32>,
    return
  }
}

</mosaic_0001>

<sc_bundles>
// kernel: kernel.4.cloned.1.call-start
scs
__scs_entry_jumppad:
0x0: {  	(pc) =	sbr.rel $0x88, $3  }
0x1: {  	(tag) =	ssettag $0x0;
	lr =	simm.s32 $0x1  }
0x2: {  	[smem:$0x3F9A] =	sst lr;
	_ =	strace $0xD0000000  }
0x3: {  	_ = 	snop  }
0x4: {  	_ = 	snop  }
0x5: {  	_ = 	snop  }
0x6: {  	_ = 	snop  }
0x7: {  	_ = 	snop  }
__scs_overlays_trampoline_lowered:
0x8: {  	[smem:$0x3FA9] =	sst s0  }
0x9: {  	[smem:$0x3FAA] =	sst s1  }
0xa: {  	[smem:$0x3FAB] =	sst s2  }
0xb: {  	[smem:$0x3FAC] =	sst s3  }
0xc: {  	[smem:$0x3FAD] =	sst s4  }
0xd: {  	[smem:$0x3FAE] =	sst s5  }
0xe: {  	[smem:$0x3FAF] =	sst s6  }
0xf: {  	[smem:$0x3FB0] =	sst s7  }
0x10: {  	[smem:$0x3FB1] =	sst s8  }
0x11: {  	[smem:$0x3FB2] =	sst s9;
	s0 =	simm.s32 @!p0 $0x0  }
0x12: {  	s1 =	sld [smem:$0x3F98];
	s0 =	simm.s32 @p0 $0x1  }
0x13: {  	[smem:$0x3FB3] =	sst s0;
	s0 =	simm.s32 @!p1 $0x0  }
0x14: {  	s2 =	sld [smem:$0x3F97];
	s0 =	simm.s32 @p1 $0x1  }
0x15: {  	[smem:$0x3FB4] =	sst s0;
	s0 =	simm.s32 @!p2 $0x0  }
0x16: {  	s3 =	sld [smem:$0x3FDB];
	s0 =	simm.s32 @p2 $0x1  }
0x17: {  	s4 =	simm.s32 $0x1BF5;
	[smem:$0x3FB6] =	sst s0  }
0x18: {  	s0 =	sld [smem:$0x3F99];
	_ =	swait.ge [sflag:s4], $0x0  }
0x19: {  	s7 =	sld [smem:$0x3F9A]  }
0x1a: {  	s8 =	sadd.s32 $0xFFFFE003, lr  }
0x1b: {  	s9 =	sadd.s32 $0xFFFFFEF7, lr;
	s5 =	simm.s32 $0xFFFFFFFF;
	p2 =	slt.u32 s8, $0xFFFFF086  }
0x1c: {  	p1 =	slt.u32 s9, $0xF7A;
	s5 =	simm.s32 @!p2 $0x0  }
0x1d: {  	s5 =	simm.s32 @p1 $0x1;
	p0 =	seq.s32 s7, s2  }
0x1e: {  	s7 =	smul.u32 @!p0 $0xF7A, s2;
	p2 =	seq.s32 @!p0 s5, $0x0  }
0x1f: {  	s9 =	smul.u32 $0xF7A, s1;
	s8 =	simm.s32 @!p0 $0x1BF5;
	p2 =	por !p2, p0  }
0x20: {  	[sflag:s8] =	ssyncset.s32 @!p0 $0xFFFFF086;
	s6 =	sadd.s32 @!p0 s3, s7;
	s7 =	simm.s32 @!p0 $0x108  }
0x21: {  	s3 =	sadd.s32 s3, s9;
	s6 =	sadd.s32 @!p0 $0x88, s6;
	s7 =	simm.s32 @p2 $0x1082  }
0x22: {  	[simem:s7], [sflag:s8] =	dma.local @!p0 [hbm:s6], $0xF7A  }
0x23: {  	s9 =	sor.u32 $0xD0000000, s2;
	s6 =	simm.s32 $0x108;
	_ =	swait.ge @!p0 [sflag:s8], $0x0  }
0x24: {  	s3 =	sadd.s32 $0x88, s3;
	s6 =	simm.s32 @!p1 $0x1082;
	[sflag:s4] =	ssyncset.s32 $0xFFFFF086  }
0x25: {  	[simem:s6], [sflag:s4] =	dma.local [hbm:s3], $0xF7A  }
0x26: {  	[smem:$0x3F9A] =	sst s1;
	(tag) =	ssettag s2;
	_ =	strace s9  }
0x27: {  	s1 =	sld [smem:$0x3FAA]  }
0x28: {  	s2 =	sld [smem:$0x3FAB]  }
0x29: {  	s4 =	sld [smem:$0x3FAD]  }
0x2a: {  	p0 =	seq.s32 s5, $0x0;
	s5 =	sld [smem:$0x3FAE]  }
0x2b: {  	s6 =	sld [smem:$0x3FAF]  }
0x2c: {  	s7 =	sld [smem:$0x3FB0]  }
0x2d: {  	s3 =	simm.s32 $0x108;
	s8 =	sld [smem:$0x3FB1]  }
0x2e: {  	s3 =	simm.s32 @!p0 $0x1082;
	s9 =	sld [smem:$0x3FB2]  }
0x2f: {  	lr =	sadd.s32 s0, s3;
	s0 =	sld [smem:$0x3FA9]  }
0x30: {  	s3 =	sld [smem:$0x3FAC]  }
0x31: {  	[smem:$0x3FB5] =	sst s10  }
0x32: {  	s10 =	sld [smem:$0x3FB3];
	_ =	sdelay $0x3  }
0x33: {  	p0 =	seq.s32 s10, $0x1;
	s10 =	sld [smem:$0x3FB5];
	_ =	sdelay $0x3  }
0x34: {  	[smem:$0x3FB5] =	sst s10  }
0x35: {  	s10 =	sld [smem:$0x3FB4];
	_ =	sdelay $0x3  }
0x36: {  	p1 =	seq.s32 s10, $0x1;
	s10 =	sld [smem:$0x3FB5];
	_ =	sdelay $0x3  }
0x37: {  	[smem:$0x3FB5] =	sst s10  }
0x38: {  	s10 =	sld [smem:$0x3FB6]  }
0x39: {  	_ = 	snop;
	(pc) =	sbr.ind lr, $3  }
0x3a: {  	_ = 	snop  }
0x3b: {  	_ = 	snop  }
0x3c: {  	p2 =	seq.s32 s10, $0x1;
	s10 =	sld [smem:$0x3FB5]  }
0x3d: {  	_ =	shalt  }
0x3e: {  	_ =	shalt  }
0x3f: {  	_ =	shalt  }
0x40: {  	_ =	shalt  }
0x41: {  	_ =	shalt  }
0x42: {  	_ =	shalt  }
0x43: {  	_ =	shalt  }
0x44: {  	_ =	shalt  }
0x45: {  	_ =	shalt  }
0x46: {  	_ =	shalt  }
0x47: {  	_ =	shalt  }
0x48: {  	_ =	shalt  }
0x49: {  	_ =	shalt  }
0x4a: {  	_ =	shalt  }
0x4b: {  	_ =	shalt  }
0x4c: {  	_ =	shalt  }
0x4d: {  	_ =	shalt  }
0x4e: {  	_ =	shalt  }
0x4f: {  	_ =	shalt  }
0x50: {  	_ =	shalt  }
0x51: {  	_ =	shalt  }
0x52: {  	_ =	shalt  }
0x53: {  	_ =	shalt  }
0x54: {  	_ =	shalt  }
0x55: {  	_ =	shalt  }
0x56: {  	_ =	shalt  }
0x57: {  	_ =	shalt  }
0x58: {  	_ =	shalt  }
0x59: {  	_ =	shalt  }
0x5a: {  	_ =	shalt  }
0x5b: {  	_ =	shalt  }
0x5c: {  	_ =	shalt  }
0x5d: {  	_ =	shalt  }
0x5e: {  	_ =	shalt  }
0x5f: {  	_ =	shalt  }
0x60: {  	_ =	shalt  }
0x61: {  	_ =	shalt  }
0x62: {  	_ =	shalt  }
0x63: {  	_ =	shalt  }
0x64: {  	_ =	shalt  }
0x65: {  	_ =	shalt  }
0x66: {  	_ =	shalt  }
0x67: {  	_ =	shalt  }
0x68: {  	_ =	shalt  }
0x69: {  	_ =	shalt  }
0x6a: {  	_ =	shalt  }
0x6b: {  	_ =	shalt  }
0x6c: {  	_ =	shalt  }
0x6d: {  	_ =	shalt  }
0x6e: {  	_ =	shalt  }
0x6f: {  	_ =	shalt  }
0x70: {  	_ =	shalt  }
0x71: {  	_ =	shalt  }
0x72: {  	_ =	shalt  }
0x73: {  	_ =	shalt  }
0x74: {  	_ =	shalt  }
0x75: {  	_ =	shalt  }
0x76: {  	_ =	shalt  }
0x77: {  	_ =	shalt  }
0x78: {  	_ =	shalt  }
0x79: {  	_ =	shalt  }
0x7a: {  	_ =	shalt  }
0x7b: {  	_ =	shalt  }
0x7c: {  	_ =	shalt  }
0x7d: {  	_ =	shalt  }
0x7e: {  	_ =	shalt  }
0x7f: {  	_ =	shalt  }
0x80: {  	_ =	shalt  }
0x81: {  	_ =	shalt  }
0x82: {  	_ =	shalt  }
0x83: {  	_ =	shalt  }
0x84: {  	_ =	shalt  }
0x85: {  	_ =	shalt  }
0x86: {  	_ =	shalt  }
0x87: {  	_ =	shalt  }
.Lfunc_end0:
.L_simem_size_0:
called_computation_lowered:
.L_overlay_start_0:
0x88: {  	s2 =	sld [smem:$0x3FD9]  }
0x89: {  	s3 =	sld [smem:$0x3FFE];
	_ =	sdelay $0x1  }
0x8a: {  	s1 =	srdreg.scid  }
0x8b: {  	s0 =	sand.u32 $0x1, s1  }
0x8c: {  	s16 =	sshll.u32 s0, $0xA;
	s2 =	sadd.s32 s3, s2  }
0x8d: {  	s2 =	sadd.s32 s2, s16  }
0x8e: {  	[smem:$0x3FC1] =	sst s2  }
0x8f: {  	_ = 	snop  }
0x90: {  	(tm) =	ssettm $0x1  }
0x91: {  	s17 =	sld [smem:$0x3FFB];
	_ =	sdelay $0x3  }
0x92: {  	_ =	strace s17  }
0x93: {  	s2 =	sld [smem:$0x3FFC];
	_ =	sdelay $0x3  }
0x94: {  	_ =	strace s2  }
0x95: {  	s2 =	sld [smem:$0x3FFD];
	_ =	sdelay $0x3  }
0x96: {  	_ =	strace s2  }
0x97: {  	_ =	strace $0x8FFFFFFF  }
0x98: {  	s18 =	sld [smem:$0x3FDB];
	_ =	sdelay $0x1  }
0x99: {  	s19 =	simm.s32 $_scs_section_size  }
0x9a: {  	s4 =	simm.s32 $_size__tile_overlayer_lowered;
	s5 =	simm.s32 $_tile_overlayer_lowered  }
0x9b: {  	s22 =	simm.s32 $0x1BFF;
	s21 =	sshll.u32 s5, $0x1;
	s2 =	sadd.s32 s19, s18  }
0x9c: {  	s6 =	simm.s32 $0x0;
	s20 =	sshll.u32 s4, $0x1;
	s4 =	sadd.s32 s21, s2  }
0x9d: {  	[timem:s6], [sflag:s22] =	dma.local [hbm:s4], s20  }
0x9e: {  	_ =	swait.ge [sflag:s22], s20  }
0x9f: {  	s3 =	ssub.s32 $0x0, s20;
	[sflag:s22] =	ssyncset.done $0x0  }
0xa0: {  	[sflag:s22] =	ssyncadd.s32 s3;
	_ =	sdelay $0x1  }
0xa1: {  	s23 =	simm.s32 $0x1B8B  }
0xa2: {  	_ =	swait.ge [sflag:s23], $0x1  }
0xa3: {  	[sflag:s23] =	ssyncset.done $0x0  }
0xa4: {  	s25 =	simm.s32 $0x1B8E;
	s24 =	sld [smem:$0x3FFE];
	[sflag:s23] =	ssyncadd.s32 $0xFFFFFFFF  }
0xa5: {  	s26 =	simm.s32 $execute0_lowered;
	[smem:$0x3FD2] =	sst s25  }
0xa6: {  	s4 =	sshll.u32 s26, $0x1;
	_ =	strace $0x80000046;
	[dreg:$0x1] =	wrdreg $0xFFFFFFFF  }
0xa7: {  	s28 =	simm.s32 $_size_execute0_lowered;
	s2 =	sadd.s32 s2, s4;
	[dreg:$0x0] =	wrdreg $0x0  }
0xa8: {  	s4 =	sshll.u32 s28, $0x1;
	[dreg:$0x2] =	wrdreg s2  }
0xa9: {  	[dreg:$0x3] =	wrdreg s4  }
0xaa: {  	[dreg:$0x4] =	wrdreg $0xC0  }
0xab: {  	_ =	task [dreg:s6], $0x5FFFF  }
0xac: {  	[dreg:$0x1] =	wrdreg $0xFFFFFFFF  }
0xad: {  	[dreg:$0x0] =	wrdreg $0x60  }
0xae: {  	[dreg:$0x2] =	wrdreg s24  }
0xaf: {  	[dreg:$0x3] =	wrdreg $0x9  }
0xb0: {  	_ =	task.clear_ibuf [dreg:s6], $0x4FFFF;
	_ =	strace $0x90000046  }
0xb1: {  	s29 =	simm.s32 $0x9;
	_ =	strace $0x80000048  }
0xb2: {  	_ =	swait.ge [sflag:s29], $0x1  }
0xb3: {  	[sflag:s29] =	ssyncadd.s32 $0xFFFFFFFF  }
0xb4: {  	_ =	strace $0x90000048  }
0xb5: {  	_ =	sfence  }
0xb6: {  	s30 =	sld [smem:$0x0];
	_ =	sdelay $0x2  }
0xb7: {  	s31 =	sshll.u32 s1, $0xD;
	s1 =	sshrl.u32 s1, $0x2  }
0xb8: {  	s3 =	sand.u32 $0x4000, s31;
	s1 =	sadd.s32 s1, s30  }
0xb9: {  	s0 =	sor.u32 s3, s0;
	s1 =	sshll.u32 s1, $0x11  }
0xba: {  	s0 =	sor.u32 s1, s0  }
0xbb: {  	s0 =	sadd.s32 $0x8F2B, s0  }
0xbc: {  	[sflag:s0] =	ssyncadd.remote.s32 $0x1  }
0xbd: {  	_ =	sfence.sel $0xFFFF  }
0xbe: {  	[dreg:$0x0] =	wrdreg $0xFFFFFFFF;
	(pc) =	sbr.abs _section_cstart, $3  }
0xbf: {  	[dreg:$0x1] =	wrdreg $0xFFFFFFFF  }
0xc0: {  	_ =	task.clear_ibuf [dreg:s6], $0x2FFFF;
	_ =	strace $0x9FFFFFFF  }
0xc1: {  	(tm) =	ssettm $0x7FFFFFFF  }
tec
execute0_lowered:
.L_overlay_start_1:
0x0: {  	(tag) =	ssettag $0x1  }
0x1: {  	s0 =	srdreg.scid;
	s2 =	stileid.u32  }
0x2: {  	s1 =	rddreg [dreg:$0x0];
	s7 =	simm.s32 $0x5;
	s8 =	simm.s32 $0x64  }
0x3: {  	s12 =	simm.s32 $0xD0;
	s13 =	simm.s32 $0x9A00;
	s14 =	simm.s32 $0x138  }
0x4: {  	s15 =	simm.s32 $0xB300;
	s16 =	simm.s32 $0x1A0;
	s17 =	simm.s32 $0xCC00  }
0x5: {  	s18 =	simm.s32 $0x208;
	s19 =	simm.s32 $0xE500;
	s20 =	simm.s32 $0x270  }
0x6: {  	s21 =	simm.s32 $0xFE00;
	s22 =	simm.s32 $0x2D8;
	s23 =	simm.s32 $0x11700  }
0x7: {  	s24 =	simm.s32 $0x1;
	s25 =	simm.s32 $0x2;
	s26 =	simm.s32 $0x3  }
0x8: {  	s28 =	simm.s32 $0x4;
	s29 =	simm.s32 $0x13000;
	s30 =	simm.s32 $0x0  }
0x9: {  	s0 =	sand.u32 $0x1, s0;
	s3 =	sshll.u32 s2, $0x1;
	s2 =	simm.s32 $0x0  }
.Ltmp0:
0xa: {  	s3 =	sor.u32 s0, s3;
	[smem:$0x7FF] =	sst s2;
	(pc) =	sbr.rel .LBB2_1-.Ltmp0, $4  }
0xb: {  	s0 =	ssub.s32 $0x2, s0;
	s4 =	smul.u32 $0xD00, s3;
	_ =	strace $0x80000047  }
0xc: {  	s5 =	sshll.u32 s3, $0xA;
	s3 =	sadd.s32 $0xF43400, s1;
	s31 =	sshrl.u32 s0, $0x1  }
0xd: {  	s0 =	ssub.s32 s0, s31;
	s4 =	sadd.s32 s4, s1;
	s1 =	sadd.s32 s5, s1  }
0xe: {  	s6 =	smax.u32 s0, $0x1;
	s4 =	sadd.s32 $0x1000, s4;
	s5 =	sadd.s32 $0x1B000, s1  }
.LBB2_12:
0xf: {  	s30 =	sadd.s32 $0x1, s30  }
0x10: {  	p0 =	sne.s32 s30, s6  }
.Ltmp1:
0x11: {  	_ = 	snop;
	(pc) =	sbr.rel @!p0 .LBB2_13-.Ltmp1, $4  }
0x12: {  	[hbm4b:s5+s2] =	stream.linear.scatter [tilespmem:s29], [sflag:$0x5], $0x2000, $0x38;
	[tilespmem:$0x15000] =	vst v63  }
0x13: {  	_ =	swait.ge [sflag:s7], $0x2000  }
0x14: {  	[sflag:s7] =	ssyncset.done $0x0  }
0x15: {  	[sflag:s7] =	ssyncadd.s32 $0xFFFFE000  }
.LBB2_1:
0x16: {  	[tilespmem:s2], [sflag:$0x5] =	stream.linear.gather [hbm4b:s4+s2], $0x6800, $0x38;
	[tilespmem:$0x15000] =	vst v63  }
0x17: {  	_ =	swait.ge [sflag:s7], $0x6800  }
0x18: {  	[sflag:s7] =	ssyncset.done $0x0  }
0x19: {  	s0 =	simm.s32 $0x6800;
	[sflag:s7] =	ssyncadd.s32 $0xFFFF9800  }
0x1a: {  	[tilespmem:s0], [sflag:$0x1] =	stream.indirect.gather [hbm4b:s3+s8], $0x40, s2, s8, $0xb8;
	[tilespmem:$0x15000] =	vst v63  }
0x1b: {  	s11 =	simm.s32 $0x68;
	s1 =	simm.s32 $0x8100  }
0x1c: {  	[tilespmem:s1], [sflag:$0x1] =	stream.indirect.gather [hbm4b:s3+s8], $0x40, s11, s8, $0xb8;
	[tilespmem:$0x15000] =	vst v63  }
0x1d: {  	_ = 	snop  }
0x1e: {  	[tilespmem:s13], [sflag:$0x2] =	stream.indirect.gather [hbm4b:s3+s8], $0x40, s12, s8, $0xb8;
	[tilespmem:$0x15000] =	vst v63  }
0x1f: {  	_ = 	snop  }
0x20: {  	[tilespmem:s15], [sflag:$0x2] =	stream.indirect.gather [hbm4b:s3+s8], $0x40, s14, s8, $0xb8;
	[tilespmem:$0x15000] =	vst v63  }
0x21: {  	_ = 	snop  }
0x22: {  	[tilespmem:s17], [sflag:$0x3] =	stream.indirect.gather [hbm4b:s3+s8], $0x40, s16, s8, $0xb8;
	[tilespmem:$0x15000] =	vst v63  }
0x23: {  	_ = 	snop  }
0x24: {  	[tilespmem:s19], [sflag:$0x3] =	stream.indirect.gather [hbm4b:s3+s8], $0x40, s18, s8, $0xb8;
	[tilespmem:$0x15000] =	vst v63  }
0x25: {  	_ = 	snop  }
0x26: {  	[tilespmem:s21], [sflag:$0x4] =	stream.indirect.gather [hbm4b:s3+s8], $0x40, s20, s8, $0xb8;
	[tilespmem:$0x15000] =	vst v63  }
0x27: {  	s31 =	simm.s32 $0x0  }
0x28: {  	[tilespmem:s23], [sflag:$0x4] =	stream.indirect.gather [hbm4b:s3+s8], $0x40, s22, s8, $0xb8;
	[tilespmem:$0x15000] =	vst v63  }
.LBB2_2:
0x29: {  	_ =	swait.ge [sflag:s24], $0x1900  }
0x2a: {  	[sflag:s24] =	ssyncset.done $0x0  }
0x2b: {  	[sflag:s24] =	ssyncadd.s32 $0xFFFFE700  }
0x2c: {  	_ =	swait.ge [sflag:s24], $0x1900  }
0x2d: {  	[sflag:s24] =	ssyncset.done $0x0  }
0x2e: {  	s0 =	simm.s32 $0x0;
	[sflag:s24] =	ssyncadd.s32 $0xFFFFE700  }
0x2f: {  	v3 =	vld [tilespmem:s0+$0x6980]  }
0x30: {  	v4 =	vld [tilespmem:s0+$0x6990]  }
0x31: {  	v5 =	vld [tilespmem:s0+$0x69A0]  }
0x32: {  	v6 =	vld [tilespmem:s0+$0x69B0]  }
0x33: {  	v0 =	vld [tilespmem:s0+$0x69C0]  }
0x34: {  	v1 =	vld [tilespmem:s0+$0x69D0]  }
0x35: {  	v13 =	vld [tilespmem:s0+$0x6900]  }
0x36: {  	v15 =	vld [tilespmem:s0+$0x6910]  }
0x37: {  	v12 =	vld [tilespmem:s0+$0x6920]  }
0x38: {  	v14 =	vld [tilespmem:s0+$0x6930]  }
0x39: {  	v2 =	vld [tilespmem:s0+$0x6940]  }
0x3a: {  	v9 =	vld [tilespmem:s0+$0x6880]  }
0x3b: {  	v10 =	vld [tilespmem:s0+$0x6890]  }
0x3c: {  	v11 =	vld [tilespmem:s0+$0x6800]  }
0x3d: {  	v17 =	vld [tilespmem:s0+$0x6810]  }
0x3e: {  	v18 =	vld [tilespmem:s0+$0x6820]  }
0x3f: {  	v19 =	vld [tilespmem:s0+$0x6830]  }
0x40: {  	v20 =	vld [tilespmem:s0+$0x68A0]  }
0x41: {  	v24 =	vld [tilespmem:s0+$0x68B0]  }
0x42: {  	v8 =	vimm.f32 $0.0e+00;
	v7 =	vld [tilespmem:s0+$0x6950]  }
0x43: {  	v16 =	vld [tilespmem:s0+$0x68C0];
	v11 =	vadd.f32 v11, v8;
	v22 =	vadd.f32 v17, v8  }
0x44: {  	v17 =	vld [tilespmem:s0+$0x68D0];
	v23 =	vadd.f32 v18, v8;
	v25 =	vadd.f32 v19, v8  }
0x45: {  	v18 =	vld [tilespmem:s0+$0x6840];
	v21 =	vadd.f32 v9, v11;
	v22 =	vadd.f32 v10, v22  }
0x46: {  	v19 =	vld [tilespmem:s0+$0x6850];
	v23 =	vadd.f32 v20, v23;
	v24 =	vadd.f32 v24, v25  }
0x47: {  	s1 =	simm.s32 $0x800;
	v20 =	vld [tilespmem:s0+$0x6860];
	v11 =	vimm.f32 $0.0e+00;
	v10 =	vimm.f32 $0.0e+00;
	v9 =	vimm.f32 $0.0e+00  }
.LBB2_3:
0x48: {  	p0 =	sne.s32 s1, $0xC000;
	v25 =	vld [tilespmem:s0+$0x6870];
	v13 =	vadd.f32 v13, v21;
	v15 =	vadd.f32 v15, v22  }
0x49: {  	v21 =	vld [tilespmem:s0+$0x68E0];
	v12 =	vadd.f32 v12, v23;
	v14 =	vadd.f32 v14, v24  }
0x4a: {  	v22 =	vld [tilespmem:s0+$0x68F0];
	v23 =	vadd.f32 v3, v13;
	v24 =	vadd.f32 v4, v15  }
0x4b: {  	v13 =	vld [tilespmem:s0+$0x6960];
	v26 =	vadd.f32 v5, v12;
	v27 =	vadd.f32 v6, v14  }
0x4c: {  	v3 =	vadd.f32 v18, v8;
	v4 =	vadd.f32 v19, v11;
	v6 =	vld [tilespmem:s0+$0x6970]  }
0x4d: {  	v5 =	vadd.f32 v20, v10;
	v8 =	vadd.f32 v25, v9;
	v9 =	vld [tilespmem:s0+$0x69E0]  }
0x4e: {  	v10 =	vadd.f32 v16, v3;
	v11 =	vadd.f32 v17, v4;
	v12 =	vld [tilespmem:s0+$0x69F0];
	s0 =	sshra.s32 s1, $0x2  }
0x4f: {  	v14 =	vadd.f32 v21, v5;
	v3 =	vld [tilespmem:s0+$0x6980];
	v8 =	vadd.f32 v22, v8  }
0x50: {  	v2 =	vadd.f32 v2, v10;
	v7 =	vadd.f32 v7, v11;
	v4 =	vld [tilespmem:s0+$0x6990]  }
0x51: {  	v10 =	vadd.f32 v13, v14;
	v5 =	vld [tilespmem:s0+$0x69A0];
	v13 =	vadd.f32 v6, v8  }
0x52: {  	v8 =	vadd.f32 v0, v2;
	v11 =	vadd.f32 v1, v7;
	v6 =	vld [tilespmem:s0+$0x69B0]  }
0x53: {  	v10 =	vadd.f32 v9, v10;
	v0 =	vld [tilespmem:s0+$0x69C0];
	v9 =	vadd.f32 v12, v13  }
0x54: {  	v1 =	vld [tilespmem:s0+$0x69D0]  }
0x55: {  	v13 =	vld [tilespmem:s0+$0x6900]  }
0x56: {  	v15 =	vld [tilespmem:s0+$0x6910]  }
0x57: {  	v12 =	vld [tilespmem:s0+$0x6920]  }
0x58: {  	v14 =	vld [tilespmem:s0+$0x6930]  }
0x59: {  	v2 =	vld [tilespmem:s0+$0x6940]  }
0x5a: {  	v7 =	vld [tilespmem:s0+$0x6950]  }
0x5b: {  	v20 =	vld [tilespmem:s0+$0x6880]  }
0x5c: {  	v22 =	vld [tilespmem:s0+$0x6890]  }
0x5d: {  	v17 =	vld [tilespmem:s0+$0x6800]  }
0x5e: {  	v18 =	vld [tilespmem:s0+$0x6810]  }
0x5f: {  	v19 =	vld [tilespmem:s0+$0x6820]  }
0x60: {  	v21 =	vld [tilespmem:s0+$0x6830]  }
0x61: {  	v25 =	vld [tilespmem:s0+$0x68A0]  }
0x62: {  	v28 =	vld [tilespmem:s0+$0x68B0]  }
.Ltmp2:
0x63: {  	v16 =	vld [tilespmem:s0+$0x68C0];
	(pc) =	sbr.rel @p0 .LBB2_3-.Ltmp2, $4  }
0x64: {  	v23 =	vadd.f32 v17, v23;
	v24 =	vadd.f32 v18, v24;
	v17 =	vld [tilespmem:s0+$0x68D0]  }
0x65: {  	v26 =	vadd.f32 v19, v26;
	v27 =	vadd.f32 v21, v27;
	v18 =	vld [tilespmem:s0+$0x6840]  }
0x66: {  	v21 =	vadd.f32 v20, v23;
	v22 =	vadd.f32 v22, v24;
	v19 =	vld [tilespmem:s0+$0x6850]  }
0x67: {  	s1 =	sadd.s32 $0x800, s1;
	v23 =	vadd.f32 v25, v26;
	v20 =	vld [tilespmem:s0+$0x6860];
	v24 =	vadd.f32 v28, v27  }
0x68: {  	v13 =	vadd.f32 v13, v21;
	v15 =	vadd.f32 v15, v22  }
0x69: {  	v21 =	vld [tilespmem:s0+$0x6870];
	v12 =	vadd.f32 v12, v23;
	v14 =	vadd.f32 v14, v24  }
0x6a: {  	v22 =	vld [tilespmem:s0+$0x68E0];
	v3 =	vadd.f32 v3, v13;
	v4 =	vadd.f32 v4, v15  }
0x6b: {  	v13 =	vld [tilespmem:s0+$0x68F0];
	v8 =	vadd.f32 v18, v8;
	v5 =	vadd.f32 v5, v12  }
0x6c: {  	v12 =	vld [tilespmem:s0+$0x6960];
	v6 =	vadd.f32 v6, v14;
	v11 =	vadd.f32 v19, v11  }
0x6d: {  	v14 =	vld [tilespmem:s0+$0x6970];
	v10 =	vadd.f32 v20, v10;
	v8 =	vadd.f32 v16, v8  }
0x6e: {  	v15 =	vld [tilespmem:s0+$0x69E0];
	v9 =	vadd.f32 v21, v9;
	v11 =	vadd.f32 v17, v11  }
0x6f: {  	v16 =	vld [tilespmem:s0+$0x69F0];
	v10 =	vadd.f32 v22, v10;
	v2 =	vadd.f32 v2, v8  }
0x70: {  	v8 =	vadd.f32 v13, v9;
	v7 =	vadd.f32 v7, v11  }
0x71: {  	v9 =	vadd.f32 v12, v10;
	v0 =	vadd.f32 v0, v2  }
0x72: {  	v2 =	vadd.f32 v14, v8;
	v1 =	vadd.f32 v1, v7  }
0x73: {  	s11 =	sshll.u32 s31, $0x8;
	v7 =	vadd.f32 v15, v9;
	v0 =	vadd.f32 v0, v3  }
0x74: {  	p0 =	seq.s32 s31, $0x1F;
	s1 =	sand.u32 $0x3FFFFF00, s11;
	v2 =	vadd.f32 v16, v2;
	v1 =	vadd.f32 v1, v4  }
0x75: {  	s0 =	smul.u32 @!p0 $0xD00, s31;
	[tilespmem:s1+$0x13000] =	vst v0;
	v0 =	vadd.f32 v7, v5  }
0x76: {  	[tilespmem:s1+$0x13010] =	vst v1;
	v1 =	vadd.f32 v2, v6  }
0x77: {  	s0 =	sshra.s32 @!p0 s0, $0x2;
	[tilespmem:s1+$0x13020] =	vst v0  }
0x78: {  	s10 =	simm.s32 @!p0 $0x64;
	s11 =	simm.s32 @!p0 $0x6800;
	s9 =	sadd.s32 @!p0 $0x340, s0;
	[tilespmem:s1+$0x13030] =	vst v1  }
0x79: {  	[tilespmem:s11], [sflag:$0x1] =	stream.indirect.gather @!p0 [hbm4b:s3+s10], $0x40, s9, s10, $0xb8;
	[tilespmem:$0x15000] =	vst v63  }
0x7a: {  	s9 =	sadd.s32 @!p0 $0x3A8, s0;
	s11 =	simm.s32 @!p0 $0x8100  }
0x7b: {  	[tilespmem:s11], [sflag:$0x1] =	stream.indirect.gather @!p0 [hbm4b:s3+s10], $0x40, s9, s10, $0xb8;
	[tilespmem:$0x15000] =	vst v63  }
0x7c: {  	_ =	swait.ge [sflag:s25], $0x1900  }
0x7d: {  	[sflag:s25] =	ssyncset.done $0x0  }
0x7e: {  	[sflag:s25] =	ssyncadd.s32 $0xFFFFE700  }
0x7f: {  	_ =	swait.ge [sflag:s25], $0x1900  }
0x80: {  	[sflag:s25] =	ssyncset.done $0x0  }
0x81: {  	s9 =	simm.s32 $0x0;
	[sflag:s25] =	ssyncadd.s32 $0xFFFFE700  }
0x82: {  	v3 =	vld [tilespmem:s9+$0x9B80]  }
0x83: {  	v4 =	vld [tilespmem:s9+$0x9B90]  }
0x84: {  	v5 =	vld [tilespmem:s9+$0x9BA0]  }
0x85: {  	v6 =	vld [tilespmem:s9+$0x9BB0]  }
0x86: {  	v0 =	vld [tilespmem:s9+$0x9BC0]  }
0x87: {  	v1 =	vld [tilespmem:s9+$0x9BD0]  }
0x88: {  	v13 =	vld [tilespmem:s9+$0x9B00]  }
0x89: {  	v15 =	vld [tilespmem:s9+$0x9B10]  }
0x8a: {  	v12 =	vld [tilespmem:s9+$0x9B20]  }
0x8b: {  	v14 =	vld [tilespmem:s9+$0x9B30]  }
0x8c: {  	v2 =	vld [tilespmem:s9+$0x9B40]  }
0x8d: {  	v9 =	vld [tilespmem:s9+$0x9A80]  }
0x8e: {  	v10 =	vld [tilespmem:s9+$0x9A90]  }
0x8f: {  	v11 =	vld [tilespmem:s9+$0x9A00]  }
0x90: {  	v17 =	vld [tilespmem:s9+$0x9A10]  }
0x91: {  	v18 =	vld [tilespmem:s9+$0x9A20]  }
0x92: {  	v19 =	vld [tilespmem:s9+$0x9A30]  }
0x93: {  	v20 =	vld [tilespmem:s9+$0x9AA0]  }
0x94: {  	v24 =	vld [tilespmem:s9+$0x9AB0]  }
0x95: {  	v8 =	vimm.f32 $0.0e+00;
	v7 =	vld [tilespmem:s9+$0x9B50]  }
0x96: {  	v16 =	vld [tilespmem:s9+$0x9AC0];
	v11 =	vadd.f32 v11, v8;
	v22 =	vadd.f32 v17, v8  }
0x97: {  	v17 =	vld [tilespmem:s9+$0x9AD0];
	v23 =	vadd.f32 v18, v8;
	v25 =	vadd.f32 v19, v8  }
0x98: {  	v18 =	vld [tilespmem:s9+$0x9A40];
	v21 =	vadd.f32 v9, v11;
	v22 =	vadd.f32 v10, v22  }
0x99: {  	v19 =	vld [tilespmem:s9+$0x9A50];
	v23 =	vadd.f32 v20, v23;
	v24 =	vadd.f32 v24, v25  }
0x9a: {  	s10 =	simm.s32 $0x800;
	v20 =	vld [tilespmem:s9+$0x9A60];
	v11 =	vimm.f32 $0.0e+00;
	v10 =	vimm.f32 $0.0e+00;
	v9 =	vimm.f32 $0.0e+00  }
.LBB2_5:
0x9b: {  	p1 =	sne.s32 s10, $0xC000;
	v25 =	vld [tilespmem:s9+$0x9A70];
	v13 =	vadd.f32 v13, v21;
	v15 =	vadd.f32 v15, v22  }
0x9c: {  	v21 =	vld [tilespmem:s9+$0x9AE0];
	v12 =	vadd.f32 v12, v23;
	v14 =	vadd.f32 v14, v24  }
0x9d: {  	v22 =	vld [tilespmem:s9+$0x9AF0];
	v23 =	vadd.f32 v3, v13;
	v24 =	vadd.f32 v4, v15  }
0x9e: {  	v13 =	vld [tilespmem:s9+$0x9B60];
	v26 =	vadd.f32 v5, v12;
	v27 =	vadd.f32 v6, v14  }
0x9f: {  	v3 =	vadd.f32 v18, v8;
	v4 =	vadd.f32 v19, v11;
	v6 =	vld [tilespmem:s9+$0x9B70]  }
0xa0: {  	v5 =	vadd.f32 v20, v10;
	v8 =	vadd.f32 v25, v9;
	v9 =	vld [tilespmem:s9+$0x9BE0]  }
0xa1: {  	v10 =	vadd.f32 v16, v3;
	v11 =	vadd.f32 v17, v4;
	v12 =	vld [tilespmem:s9+$0x9BF0];
	s9 =	sshra.s32 s10, $0x2  }
0xa2: {  	v14 =	vadd.f32 v21, v5;
	v3 =	vld [tilespmem:s9+$0x9B80];
	v8 =	vadd.f32 v22, v8  }
0xa3: {  	v2 =	vadd.f32 v2, v10;
	v7 =	vadd.f32 v7, v11;
	v4 =	vld [tilespmem:s9+$0x9B90]  }
0xa4: {  	v10 =	vadd.f32 v13, v14;
	v5 =	vld [tilespmem:s9+$0x9BA0];
	v13 =	vadd.f32 v6, v8  }
0xa5: {  	v8 =	vadd.f32 v0, v2;
	v11 =	vadd.f32 v1, v7;
	v6 =	vld [tilespmem:s9+$0x9BB0]  }
0xa6: {  	v10 =	vadd.f32 v9, v10;
	v0 =	vld [tilespmem:s9+$0x9BC0];
	v9 =	vadd.f32 v12, v13  }
0xa7: {  	v1 =	vld [tilespmem:s9+$0x9BD0]  }
0xa8: {  	v13 =	vld [tilespmem:s9+$0x9B00]  }
0xa9: {  	v15 =	vld [tilespmem:s9+$0x9B10]  }
0xaa: {  	v12 =	vld [tilespmem:s9+$0x9B20]  }
0xab: {  	v14 =	vld [tilespmem:s9+$0x9B30]  }
0xac: {  	v2 =	vld [tilespmem:s9+$0x9B40]  }
0xad: {  	v7 =	vld [tilespmem:s9+$0x9B50]  }
0xae: {  	v20 =	vld [tilespmem:s9+$0x9A80]  }
0xaf: {  	v22 =	vld [tilespmem:s9+$0x9A90]  }
0xb0: {  	v17 =	vld [tilespmem:s9+$0x9A00]  }
0xb1: {  	v18 =	vld [tilespmem:s9+$0x9A10]  }
0xb2: {  	v19 =	vld [tilespmem:s9+$0x9A20]  }
0xb3: {  	v21 =	vld [tilespmem:s9+$0x9A30]  }
0xb4: {  	v25 =	vld [tilespmem:s9+$0x9AA0]  }
0xb5: {  	v28 =	vld [tilespmem:s9+$0x9AB0]  }
.Ltmp3:
0xb6: {  	v16 =	vld [tilespmem:s9+$0x9AC0];
	(pc) =	sbr.rel @p1 .LBB2_5-.Ltmp3, $4  }
0xb7: {  	v23 =	vadd.f32 v17, v23;
	v24 =	vadd.f32 v18, v24;
	v17 =	vld [tilespmem:s9+$0x9AD0]  }
0xb8: {  	v26 =	vadd.f32 v19, v26;
	v27 =	vadd.f32 v21, v27;
	v18 =	vld [tilespmem:s9+$0x9A40]  }
0xb9: {  	v21 =	vadd.f32 v20, v23;
	v22 =	vadd.f32 v22, v24;
	v19 =	vld [tilespmem:s9+$0x9A50]  }
0xba: {  	s10 =	sadd.s32 $0x800, s10;
	v23 =	vadd.f32 v25, v26;
	v20 =	vld [tilespmem:s9+$0x9A60];
	v24 =	vadd.f32 v28, v27  }
0xbb: {  	v13 =	vadd.f32 v13, v21;
	v15 =	vadd.f32 v15, v22  }
0xbc: {  	v21 =	vld [tilespmem:s9+$0x9A70];
	v12 =	vadd.f32 v12, v23;
	v14 =	vadd.f32 v14, v24  }
0xbd: {  	v22 =	vld [tilespmem:s9+$0x9AE0];
	v3 =	vadd.f32 v3, v13;
	v4 =	vadd.f32 v4, v15  }
0xbe: {  	v13 =	vld [tilespmem:s9+$0x9AF0];
	v8 =	vadd.f32 v18, v8;
	v5 =	vadd.f32 v5, v12  }
0xbf: {  	v12 =	vld [tilespmem:s9+$0x9B60];
	v6 =	vadd.f32 v6, v14;
	v11 =	vadd.f32 v19, v11  }
0xc0: {  	v14 =	vld [tilespmem:s9+$0x9B70];
	v10 =	vadd.f32 v20, v10;
	v8 =	vadd.f32 v16, v8  }
0xc1: {  	v15 =	vld [tilespmem:s9+$0x9BE0];
	v9 =	vadd.f32 v21, v9;
	v11 =	vadd.f32 v17, v11  }
0xc2: {  	v16 =	vld [tilespmem:s9+$0x9BF0];
	v10 =	vadd.f32 v22, v10;
	v2 =	vadd.f32 v2, v8  }
0xc3: {  	v8 =	vadd.f32 v13, v9;
	v7 =	vadd.f32 v7, v11  }
0xc4: {  	v9 =	vadd.f32 v12, v10;
	v0 =	vadd.f32 v0, v2  }
0xc5: {  	v2 =	vadd.f32 v14, v8;
	v1 =	vadd.f32 v1, v7  }
0xc6: {  	v7 =	vadd.f32 v15, v9;
	v0 =	vadd.f32 v0, v3  }
0xc7: {  	v2 =	vadd.f32 v16, v2;
	v1 =	vadd.f32 v1, v4  }
0xc8: {  	[tilespmem:s1+$0x13040] =	vst v0;
	v0 =	vadd.f32 v7, v5  }
0xc9: {  	[tilespmem:s1+$0x13050] =	vst v1;
	v1 =	vadd.f32 v2, v6  }
0xca: {  	[tilespmem:s1+$0x13060] =	vst v0  }
0xcb: {  	s10 =	simm.s32 @!p0 $0x64;
	s11 =	simm.s32 @!p0 $0x9A00;
	s9 =	sadd.s32 @!p0 $0x410, s0;
	[tilespmem:s1+$0x13070] =	vst v1  }
0xcc: {  	[tilespmem:s11], [sflag:$0x2] =	stream.indirect.gather @!p0 [hbm4b:s3+s10], $0x40, s9, s10, $0xb8;
	[tilespmem:$0x15000] =	vst v63  }
0xcd: {  	s9 =	sadd.s32 @!p0 $0x478, s0;
	s11 =	simm.s32 @!p0 $0xB300  }
0xce: {  	[tilespmem:s11], [sflag:$0x2] =	stream.indirect.gather @!p0 [hbm4b:s3+s10], $0x40, s9, s10, $0xb8;
	[tilespmem:$0x15000] =	vst v63  }
0xcf: {  	_ =	swait.ge [sflag:s26], $0x1900  }
0xd0: {  	[sflag:s26] =	ssyncset.done $0x0  }
0xd1: {  	[sflag:s26] =	ssyncadd.s32 $0xFFFFE700  }
0xd2: {  	_ =	swait.ge [sflag:s26], $0x1900  }
0xd3: {  	[sflag:s26] =	ssyncset.done $0x0  }
0xd4: {  	s9 =	simm.s32 $0x0;
	[sflag:s26] =	ssyncadd.s32 $0xFFFFE700  }
0xd5: {  	v3 =	vld [tilespmem:s9+$0xCD80]  }
0xd6: {  	v4 =	vld [tilespmem:s9+$0xCD90]  }
0xd7: {  	v5 =	vld [tilespmem:s9+$0xCDA0]  }
0xd8: {  	v6 =	vld [tilespmem:s9+$0xCDB0]  }
0xd9: {  	v0 =	vld [tilespmem:s9+$0xCDC0]  }
0xda: {  	v1 =	vld [tilespmem:s9+$0xCDD0]  }
0xdb: {  	v13 =	vld [tilespmem:s9+$0xCD00]  }
0xdc: {  	v15 =	vld [tilespmem:s9+$0xCD10]  }
0xdd: {  	v12 =	vld [tilespmem:s9+$0xCD20]  }
0xde: {  	v14 =	vld [tilespmem:s9+$0xCD30]  }
0xdf: {  	v2 =	vld [tilespmem:s9+$0xCD40]  }
0xe0: {  	v9 =	vld [tilespmem:s9+$0xCC80]  }
0xe1: {  	v10 =	vld [tilespmem:s9+$0xCC90]  }
0xe2: {  	v11 =	vld [tilespmem:s9+$0xCC00]  }
0xe3: {  	v17 =	vld [tilespmem:s9+$0xCC10]  }
0xe4: {  	v18 =	vld [tilespmem:s9+$0xCC20]  }
0xe5: {  	v19 =	vld [tilespmem:s9+$0xCC30]  }
0xe6: {  	v20 =	vld [tilespmem:s9+$0xCCA0]  }
0xe7: {  	v24 =	vld [tilespmem:s9+$0xCCB0]  }
0xe8: {  	v8 =	vimm.f32 $0.0e+00;
	v7 =	vld [tilespmem:s9+$0xCD50]  }
0xe9: {  	v16 =	vld [tilespmem:s9+$0xCCC0];
	v11 =	vadd.f32 v11, v8;
	v22 =	vadd.f32 v17, v8  }
0xea: {  	v17 =	vld [tilespmem:s9+$0xCCD0];
	v23 =	vadd.f32 v18, v8;
	v25 =	vadd.f32 v19, v8  }
0xeb: {  	v18 =	vld [tilespmem:s9+$0xCC40];
	v21 =	vadd.f32 v9, v11;
	v22 =	vadd.f32 v10, v22  }
0xec: {  	v19 =	vld [tilespmem:s9+$0xCC50];
	v23 =	vadd.f32 v20, v23;
	v24 =	vadd.f32 v24, v25  }
0xed: {  	s10 =	simm.s32 $0x800;
	v20 =	vld [tilespmem:s9+$0xCC60];
	v11 =	vimm.f32 $0.0e+00;
	v10 =	vimm.f32 $0.0e+00;
	v9 =	vimm.f32 $0.0e+00  }
.LBB2_7:
0xee: {  	p1 =	sne.s32 s10, $0xC000;
	v25 =	vld [tilespmem:s9+$0xCC70];
	v13 =	vadd.f32 v13, v21;
	v15 =	vadd.f32 v15, v22  }
0xef: {  	v21 =	vld [tilespmem:s9+$0xCCE0];
	v12 =	vadd.f32 v12, v23;
	v14 =	vadd.f32 v14, v24  }
0xf0: {  	v22 =	vld [tilespmem:s9+$0xCCF0];
	v23 =	vadd.f32 v3, v13;
	v24 =	vadd.f32 v4, v15  }
0xf1: {  	v13 =	vld [tilespmem:s9+$0xCD60];
	v26 =	vadd.f32 v5, v12;
	v27 =	vadd.f32 v6, v14  }
0xf2: {  	v3 =	vadd.f32 v18, v8;
	v4 =	vadd.f32 v19, v11;
	v6 =	vld [tilespmem:s9+$0xCD70]  }
0xf3: {  	v5 =	vadd.f32 v20, v10;
	v8 =	vadd.f32 v25, v9;
	v9 =	vld [tilespmem:s9+$0xCDE0]  }
0xf4: {  	v10 =	vadd.f32 v16, v3;
	v11 =	vadd.f32 v17, v4;
	v12 =	vld [tilespmem:s9+$0xCDF0];
	s9 =	sshra.s32 s10, $0x2  }
0xf5: {  	v14 =	vadd.f32 v21, v5;
	v3 =	vld [tilespmem:s9+$0xCD80];
	v8 =	vadd.f32 v22, v8  }
0xf6: {  	v2 =	vadd.f32 v2, v10;
	v7 =	vadd.f32 v7, v11;
	v4 =	vld [tilespmem:s9+$0xCD90]  }
0xf7: {  	v10 =	vadd.f32 v13, v14;
	v5 =	vld [tilespmem:s9+$0xCDA0];
	v13 =	vadd.f32 v6, v8  }
0xf8: {  	v8 =	vadd.f32 v0, v2;
	v11 =	vadd.f32 v1, v7;
	v6 =	vld [tilespmem:s9+$0xCDB0]  }
0xf9: {  	v10 =	vadd.f32 v9, v10;
	v0 =	vld [tilespmem:s9+$0xCDC0];
	v9 =	vadd.f32 v12, v13  }
0xfa: {  	v1 =	vld [tilespmem:s9+$0xCDD0]  }
0xfb: {  	v13 =	vld [tilespmem:s9+$0xCD00]  }
0xfc: {  	v15 =	vld [tilespmem:s9+$0xCD10]  }
0xfd: {  	v12 =	vld [tilespmem:s9+$0xCD20]  }
0xfe: {  	v14 =	vld [tilespmem:s9+$0xCD30]  }
0xff: {  	v2 =	vld [tilespmem:s9+$0xCD40]  }
0x100: {  	v7 =	vld [tilespmem:s9+$0xCD50]  }
0x101: {  	v20 =	vld [tilespmem:s9+$0xCC80]  }
0x102: {  	v22 =	vld [tilespmem:s9+$0xCC90]  }
0x103: {  	v17 =	vld [tilespmem:s9+$0xCC00]  }
0x104: {  	v18 =	vld [tilespmem:s9+$0xCC10]  }
0x105: {  	v19 =	vld [tilespmem:s9+$0xCC20]  }
0x106: {  	v21 =	vld [tilespmem:s9+$0xCC30]  }
0x107: {  	v25 =	vld [tilespmem:s9+$0xCCA0]  }
0x108: {  	v28 =	vld [tilespmem:s9+$0xCCB0]  }
.Ltmp4:
0x109: {  	v16 =	vld [tilespmem:s9+$0xCCC0];
	(pc) =	sbr.rel @p1 .LBB2_7-.Ltmp4, $4  }
0x10a: {  	v23 =	vadd.f32 v17, v23;
	v24 =	vadd.f32 v18, v24;
	v17 =	vld [tilespmem:s9+$0xCCD0]  }
0x10b: {  	v26 =	vadd.f32 v19, v26;
	v27 =	vadd.f32 v21, v27;
	v18 =	vld [tilespmem:s9+$0xCC40]  }
0x10c: {  	v21 =	vadd.f32 v20, v23;
	v22 =	vadd.f32 v22, v24;
	v19 =	vld [tilespmem:s9+$0xCC50]  }
0x10d: {  	s10 =	sadd.s32 $0x800, s10;
	v23 =	vadd.f32 v25, v26;
	v20 =	vld [tilespmem:s9+$0xCC60];
	v24 =	vadd.f32 v28, v27  }
0x10e: {  	v13 =	vadd.f32 v13, v21;
	v15 =	vadd.f32 v15, v22  }
0x10f: {  	v21 =	vld [tilespmem:s9+$0xCC70];
	v12 =	vadd.f32 v12, v23;
	v14 =	vadd.f32 v14, v24  }
0x110: {  	v22 =	vld [tilespmem:s9+$0xCCE0];
	v3 =	vadd.f32 v3, v13;
	v4 =	vadd.f32 v4, v15  }
0x111: {  	v13 =	vld [tilespmem:s9+$0xCCF0];
	v8 =	vadd.f32 v18, v8;
	v5 =	vadd.f32 v5, v12  }
0x112: {  	v12 =	vld [tilespmem:s9+$0xCD60];
	v6 =	vadd.f32 v6, v14;
	v11 =	vadd.f32 v19, v11  }
0x113: {  	v14 =	vld [tilespmem:s9+$0xCD70];
	v10 =	vadd.f32 v20, v10;
	v8 =	vadd.f32 v16, v8  }
0x114: {  	v15 =	vld [tilespmem:s9+$0xCDE0];
	v9 =	vadd.f32 v21, v9;
	v11 =	vadd.f32 v17, v11  }
0x115: {  	v16 =	vld [tilespmem:s9+$0xCDF0];
	v10 =	vadd.f32 v22, v10;
	v2 =	vadd.f32 v2, v8  }
0x116: {  	v8 =	vadd.f32 v13, v9;
	v7 =	vadd.f32 v7, v11  }
0x117: {  	v9 =	vadd.f32 v12, v10;
	v0 =	vadd.f32 v0, v2  }
0x118: {  	v2 =	vadd.f32 v14, v8;
	v1 =	vadd.f32 v1, v7  }
0x119: {  	v7 =	vadd.f32 v15, v9;
	v0 =	vadd.f32 v0, v3  }
0x11a: {  	v2 =	vadd.f32 v16, v2;
	v1 =	vadd.f32 v1, v4  }
0x11b: {  	[tilespmem:s1+$0x13080] =	vst v0;
	v0 =	vadd.f32 v7, v5  }
0x11c: {  	[tilespmem:s1+$0x13090] =	vst v1;
	v1 =	vadd.f32 v2, v6  }
0x11d: {  	[tilespmem:s1+$0x130A0] =	vst v0  }
0x11e: {  	s10 =	simm.s32 @!p0 $0x64;
	s11 =	simm.s32 @!p0 $0xCC00;
	s9 =	sadd.s32 @!p0 $0x4E0, s0;
	[tilespmem:s1+$0x130B0] =	vst v1  }
0x11f: {  	[tilespmem:s11], [sflag:$0x3] =	stream.indirect.gather @!p0 [hbm4b:s3+s10], $0x40, s9, s10, $0xb8;
	[tilespmem:$0x15000] =	vst v63  }
0x120: {  	s0 =	sadd.s32 @!p0 $0x548, s0;
	s9 =	simm.s32 @!p0 $0xE500  }
0x121: {  	[tilespmem:s9], [sflag:$0x3] =	stream.indirect.gather @!p0 [hbm4b:s3+s10], $0x40, s0, s10, $0xb8;
	[tilespmem:$0x15000] =	vst v63  }
0x122: {  	_ =	swait.ge [sflag:s28], $0x1900  }
0x123: {  	[sflag:s28] =	ssyncset.done $0x0  }
0x124: {  	[sflag:s28] =	ssyncadd.s32 $0xFFFFE700  }
0x125: {  	_ =	swait.ge [sflag:s28], $0x1900  }
0x126: {  	[sflag:s28] =	ssyncset.done $0x0  }
0x127: {  	s0 =	simm.s32 $0x0;
	[sflag:s28] =	ssyncadd.s32 $0xFFFFE700  }
0x128: {  	v3 =	vld [tilespmem:s0+$0xFF80]  }
0x129: {  	v4 =	vld [tilespmem:s0+$0xFF90]  }
0x12a: {  	v5 =	vld [tilespmem:s0+$0xFFA0]  }
0x12b: {  	v6 =	vld [tilespmem:s0+$0xFFB0]  }
0x12c: {  	v0 =	vld [tilespmem:s0+$0xFFC0]  }
0x12d: {  	v1 =	vld [tilespmem:s0+$0xFFD0]  }
0x12e: {  	v13 =	vld [tilespmem:s0+$0xFF00]  }
0x12f: {  	v15 =	vld [tilespmem:s0+$0xFF10]  }
0x130: {  	v12 =	vld [tilespmem:s0+$0xFF20]  }
0x131: {  	v14 =	vld [tilespmem:s0+$0xFF30]  }
0x132: {  	v2 =	vld [tilespmem:s0+$0xFF40]  }
0x133: {  	v9 =	vld [tilespmem:s0+$0xFE80]  }
0x134: {  	v10 =	vld [tilespmem:s0+$0xFE90]  }
0x135: {  	v11 =	vld [tilespmem:s0+$0xFE00]  }
0x136: {  	v17 =	vld [tilespmem:s0+$0xFE10]  }
0x137: {  	v18 =	vld [tilespmem:s0+$0xFE20]  }
0x138: {  	v19 =	vld [tilespmem:s0+$0xFE30]  }
0x139: {  	v20 =	vld [tilespmem:s0+$0xFEA0]  }
0x13a: {  	v24 =	vld [tilespmem:s0+$0xFEB0]  }
0x13b: {  	v8 =	vimm.f32 $0.0e+00;
	v7 =	vld [tilespmem:s0+$0xFF50]  }
0x13c: {  	v16 =	vld [tilespmem:s0+$0xFEC0];
	v11 =	vadd.f32 v11, v8;
	v22 =	vadd.f32 v17, v8  }
0x13d: {  	v17 =	vld [tilespmem:s0+$0xFED0];
	v23 =	vadd.f32 v18, v8;
	v25 =	vadd.f32 v19, v8  }
0x13e: {  	v18 =	vld [tilespmem:s0+$0xFE40];
	v21 =	vadd.f32 v9, v11;
	v22 =	vadd.f32 v10, v22  }
0x13f: {  	v19 =	vld [tilespmem:s0+$0xFE50];
	v23 =	vadd.f32 v20, v23;
	v24 =	vadd.f32 v24, v25  }
0x140: {  	s9 =	simm.s32 $0x800;
	v20 =	vld [tilespmem:s0+$0xFE60];
	v11 =	vimm.f32 $0.0e+00;
	v10 =	vimm.f32 $0.0e+00;
	v9 =	vimm.f32 $0.0e+00  }
.LBB2_9:
0x141: {  	p1 =	sne.s32 s9, $0xC000;
	v25 =	vld [tilespmem:s0+$0xFE70];
	v13 =	vadd.f32 v13, v21;
	v15 =	vadd.f32 v15, v22  }
0x142: {  	v21 =	vld [tilespmem:s0+$0xFEE0];
	v12 =	vadd.f32 v12, v23;
	v14 =	vadd.f32 v14, v24  }
0x143: {  	v22 =	vld [tilespmem:s0+$0xFEF0];
	v23 =	vadd.f32 v3, v13;
	v24 =	vadd.f32 v4, v15  }
0x144: {  	v13 =	vld [tilespmem:s0+$0xFF60];
	v26 =	vadd.f32 v5, v12;
	v27 =	vadd.f32 v6, v14  }
0x145: {  	v3 =	vadd.f32 v18, v8;
	v4 =	vadd.f32 v19, v11;
	v6 =	vld [tilespmem:s0+$0xFF70]  }
0x146: {  	v5 =	vadd.f32 v20, v10;
	v8 =	vadd.f32 v25, v9;
	v9 =	vld [tilespmem:s0+$0xFFE0]  }
0x147: {  	v10 =	vadd.f32 v16, v3;
	v11 =	vadd.f32 v17, v4;
	v12 =	vld [tilespmem:s0+$0xFFF0];
	s0 =	sshra.s32 s9, $0x2  }
0x148: {  	v14 =	vadd.f32 v21, v5;
	v3 =	vld [tilespmem:s0+$0xFF80];
	v8 =	vadd.f32 v22, v8  }
0x149: {  	v2 =	vadd.f32 v2, v10;
	v7 =	vadd.f32 v7, v11;
	v4 =	vld [tilespmem:s0+$0xFF90]  }
0x14a: {  	v10 =	vadd.f32 v13, v14;
	v5 =	vld [tilespmem:s0+$0xFFA0];
	v13 =	vadd.f32 v6, v8  }
0x14b: {  	v8 =	vadd.f32 v0, v2;
	v11 =	vadd.f32 v1, v7;
	v6 =	vld [tilespmem:s0+$0xFFB0]  }
0x14c: {  	v10 =	vadd.f32 v9, v10;
	v0 =	vld [tilespmem:s0+$0xFFC0];
	v9 =	vadd.f32 v12, v13  }
0x14d: {  	v1 =	vld [tilespmem:s0+$0xFFD0]  }
0x14e: {  	v13 =	vld [tilespmem:s0+$0xFF00]  }
0x14f: {  	v15 =	vld [tilespmem:s0+$0xFF10]  }
0x150: {  	v12 =	vld [tilespmem:s0+$0xFF20]  }
0x151: {  	v14 =	vld [tilespmem:s0+$0xFF30]  }
0x152: {  	v2 =	vld [tilespmem:s0+$0xFF40]  }
0x153: {  	v7 =	vld [tilespmem:s0+$0xFF50]  }
0x154: {  	v20 =	vld [tilespmem:s0+$0xFE80]  }
0x155: {  	v22 =	vld [tilespmem:s0+$0xFE90]  }
0x156: {  	v17 =	vld [tilespmem:s0+$0xFE00]  }
0x157: {  	v18 =	vld [tilespmem:s0+$0xFE10]  }
0x158: {  	v19 =	vld [tilespmem:s0+$0xFE20]  }
0x159: {  	v21 =	vld [tilespmem:s0+$0xFE30]  }
0x15a: {  	v25 =	vld [tilespmem:s0+$0xFEA0]  }
0x15b: {  	v28 =	vld [tilespmem:s0+$0xFEB0]  }
.Ltmp5:
0x15c: {  	v16 =	vld [tilespmem:s0+$0xFEC0];
	(pc) =	sbr.rel @p1 .LBB2_9-.Ltmp5, $4  }
0x15d: {  	v23 =	vadd.f32 v17, v23;
	v24 =	vadd.f32 v18, v24;
	v17 =	vld [tilespmem:s0+$0xFED0]  }
0x15e: {  	v26 =	vadd.f32 v19, v26;
	v27 =	vadd.f32 v21, v27;
	v18 =	vld [tilespmem:s0+$0xFE40]  }
0x15f: {  	v21 =	vadd.f32 v20, v23;
	v22 =	vadd.f32 v22, v24;
	v19 =	vld [tilespmem:s0+$0xFE50]  }
0x160: {  	s9 =	sadd.s32 $0x800, s9;
	v23 =	vadd.f32 v25, v26;
	v20 =	vld [tilespmem:s0+$0xFE60];
	v24 =	vadd.f32 v28, v27  }
0x161: {  	v13 =	vadd.f32 v13, v21;
	v15 =	vadd.f32 v15, v22  }
0x162: {  	v51 =	vld [tilespmem:s0+$0xFE70];
	v12 =	vadd.f32 v12, v23;
	v14 =	vadd.f32 v14, v24  }
0x163: {  	v52 =	vld [tilespmem:s0+$0xFEE0];
	v3 =	vadd.f32 v3, v13;
	v4 =	vadd.f32 v4, v15  }
0x164: {  	v53 =	vld [tilespmem:s0+$0xFEF0];
	v8 =	vadd.f32 v18, v8;
	v5 =	vadd.f32 v5, v12  }
0x165: {  	v54 =	vld [tilespmem:s0+$0xFF60];
	v6 =	vadd.f32 v6, v14;
	v11 =	vadd.f32 v19, v11  }
0x166: {  	v55 =	vld [tilespmem:s0+$0xFF70];
	v10 =	vadd.f32 v20, v10;
	v8 =	vadd.f32 v16, v8  }
0x167: {  	v56 =	vld [tilespmem:s0+$0xFFE0];
	v9 =	vadd.f32 v51, v9;
	v11 =	vadd.f32 v17, v11  }
0x168: {  	v57 =	vld [tilespmem:s0+$0xFFF0];
	v10 =	vadd.f32 v52, v10;
	v2 =	vadd.f32 v2, v8  }
0x169: {  	v58 =	vadd.f32 v53, v9;
	v7 =	vadd.f32 v7, v11  }
0x16a: {  	v59 =	vadd.f32 v54, v10;
	v0 =	vadd.f32 v0, v2  }
0x16b: {  	v60 =	vadd.f32 v55, v58;
	v1 =	vadd.f32 v1, v7  }
0x16c: {  	v61 =	vadd.f32 v56, v59;
	v0 =	vadd.f32 v0, v3  }
.Ltmp6:
0x16d: {  	v2 =	vadd.f32 v57, v60;
	v1 =	vadd.f32 v1, v4;
	(pc) =	sbr.rel @p0 .LBB2_12-.Ltmp6, $4  }
0x16e: {  	[tilespmem:s1+$0x130C0] =	vst v0;
	v62 =	vadd.f32 v61, v5  }
0x16f: {  	[tilespmem:s1+$0x130D0] =	vst v1;
	v63 =	vadd.f32 v2, v6  }
0x170: {  	[tilespmem:s1+$0x130E0] =	vst v62  }
0x171: {  	[tilespmem:s1+$0x130F0] =	vst v63  }
0x172: {  	s0 =	smul.u32 $0xD00, s31;
	_ =	sdelay $0x1  }
.Ltmp7:
0x173: {  	s0 =	sshra.s32 s0, $0x2;
	(pc) =	sbr.rel .LBB2_2-.Ltmp7, $4  }
0x174: {  	s1 =	sadd.s32 $0x5B0, s0  }
0x175: {  	[tilespmem:s21], [sflag:$0x4] =	stream.indirect.gather [hbm4b:s3+s8], $0x40, s1, s8, $0xb8;
	[tilespmem:$0x15000] =	vst v63  }
0x176: {  	s31 =	sadd.s32 $0x1, s31;
	s0 =	sadd.s32 $0x618, s0  }
0x177: {  	[tilespmem:s23], [sflag:$0x4] =	stream.indirect.gather [hbm4b:s3+s8], $0x40, s0, s8, $0xb8;
	[tilespmem:$0x15000] =	vst v63  }
.LBB2_13:
0x178: {  	_ =	sfence.sel $0x180000  }
0x179: {  	[bflag:$0x0] =	sbarrier.arrive $0xFFFF  }
0x17a: {  	_ =	strace $0x90000047  }
0x17b: {  	s0 =	stileid.u32;
	[bflag:$0x2] =	sbarrier.arrive $0xFFFF  }
0x17c: {  	p0 =	sne.s32 s0, $0x0;
	s0 =	rddreg [dreg:$0x1]  }
0x17d: {  	s0 =	sadd.s32 @!p0 $0x100000, s0  }
0x17e: {  	[sflag:s0] =	ssyncadd.tile.s32 @!p0 $0x1;
	_ =	shalt  }
.Lfunc_end2:
_tile_overlayer_lowered:
.L_overlay_start_2:
0x17f: {  	(tag) =	ssettag $0x2  }
0x180: {  	s0 =	rddreg [dreg:$0x0];
	s2 =	stileid.u32  }
0x181: {  	s1 =	rddreg [dreg:$0x1];
	p0 =	sne.s32 s2, $0x0  }
0x182: {  	s3 =	rddreg [dreg:$0x2];
	[bflag:$0x3] =	sbarrier.arrive $0xFFFF;
	s2 =	simm.s32 @!p0 $0x1C05  }
0x183: {  	[timem:s3], [sflag:s2] =	dma.local @!p0 [hbm:s0], s1  }
0x184: {  	s0 =	simm.s32 @!p0 $0x5  }
0x185: {  	_ =	swait.ge @!p0 [sflag:s0], s1  }
0x186: {  	s1 =	ssub.s32 @!p0 $0x0, s1;
	[sflag:s0] =	ssyncset.done @!p0 $0x0  }
0x187: {  	[sflag:s0] =	ssyncadd.s32 @!p0 s1  }
0x188: {  	[bflag:$0x3] =	sbarrier.arrive $0xFFFF  }
0x189: {  	_ =	shalt  }

</sc_bundles>
